<compile_context>
chip_gen: v7x
topology: tpu7x:2x2x1
jax: 0.10.2.dev20260603
libtpu: 0.0.44.dev20260713+nightly
codegen_flags: <defaults>
</compile_context>

<pallas_src>
import functools

import jax
import jax.numpy as jnp
from jax import lax
from jax.experimental import pallas as pl
from jax.experimental.pallas import tpu as pltpu
from jax.experimental.pallas import tpu_sc as plsc

N = 10000
F = 128
HG = 128
C = 40
E = 320000

NC = 2
NS = 16
CH = 128
KCH = 80
EPT = CH * KCH
EPAD = NC * NS * EPT
NPAD = 10240
RPT = NPAD // NS

_mesh = plsc.VectorSubcoreMesh(core_axis_name="c", subcore_axis_name="s")


def _sc_deg_body(dst_hbm, ew_hbm, z1_hbm, out_hbm, dst_v, ew_v, acc, sem):
    c = lax.axis_index("c")
    s = lax.axis_index("s")
    pltpu.sync_copy(z1_hbm, acc.at[pl.ds(s * RPT, RPT)])
    pltpu.sync_copy(dst_hbm.at[c, s], dst_v)
    pltpu.sync_copy(ew_hbm.at[c, s], ew_v)
    plsc.subcore_barrier()

    def chunk(k, carry):
        pltpu.sync_copy(ew_v.at[k], acc.at[dst_v.at[k]], add=True)
        return carry

    lax.fori_loop(0, KCH, chunk, 0)
    plsc.subcore_barrier()
    pltpu.sync_copy(acc.at[pl.ds(s * RPT, RPT)], out_hbm.at[c, pl.ds(s * RPT, RPT)])


def _sc_deg(dst4, ew4, z1):
    kfn = pl.kernel(
        _sc_deg_body,
        out_type=jax.ShapeDtypeStruct((NC, NPAD), jnp.float32),
        mesh=_mesh,
        scratch_types=[
            pltpu.VMEM((KCH, CH), jnp.int32),
            pltpu.VMEM((KCH, CH), jnp.float32),
            pltpu.VMEM_SHARED((NPAD,), jnp.float32),
            pltpu.SemaphoreType.DMA,
        ],
    )
    return kfn(dst4, ew4, z1)


def _sc_conv_body(ys_hbm, src_hbm, dst_hbm, ew_hbm, z2_hbm, out_hbm,
                  src_v, dst_v, ew_v, r0, r1, r2, r3, acc, g0, g1, g2, g3):
    rowsl = (r0, r1, r2, r3)
    gseml = (g0, g1, g2, g3)
    c = lax.axis_index("c")
    s = lax.axis_index("s")
    pltpu.sync_copy(z2_hbm, acc.at[pl.ds(s * RPT, RPT // 2)])
    pltpu.sync_copy(z2_hbm, acc.at[pl.ds(s * RPT + RPT // 2, RPT // 2)])
    pltpu.sync_copy(src_hbm.at[c, s], src_v)
    pltpu.sync_copy(dst_hbm.at[c, s], dst_v)
    pltpu.sync_copy(ew_hbm.at[c, s], ew_v)
    plsc.subcore_barrier()

    def chunk(k, carry):
        rows_v = rowsl[0]
        pltpu.async_copy(ys_hbm.at[src_v.at[k]], rows_v, gseml[0]).wait()

        def scale(e, carry2):
            i16 = jnp.full((16,), k * CH + e, dtype=jnp.int32)
            w16 = plsc.load_gather(ew_v, [i16])
            for f in range(F // 16):
                sl = pl.ds(f * 16, 16)
                rows_v[e, sl] = rows_v[e, sl] * w16
            return carry2

        lax.fori_loop(0, CH, scale, 0)
        pltpu.sync_copy(rows_v, acc.at[dst_v.at[k]], add=True)
        return carry

    lax.fori_loop(0, KCH, chunk, 0)
    plsc.subcore_barrier()
    pltpu.sync_copy(acc.at[pl.ds(s * RPT, RPT)], out_hbm.at[c, pl.ds(s * RPT, RPT)])


def _sc_conv(ys, src4, dst4, ew4, z2):
    kfn = pl.kernel(
        _sc_conv_body,
        out_type=jax.ShapeDtypeStruct((NC, NPAD, F), jnp.float32),
        mesh=_mesh,
        scratch_types=[
            pltpu.VMEM((KCH, CH), jnp.int32),
            pltpu.VMEM((KCH, CH), jnp.int32),
            pltpu.VMEM((EPT,), jnp.float32),
            pltpu.VMEM((CH, F), jnp.float32),
            pltpu.VMEM((CH, F), jnp.float32),
            pltpu.VMEM((CH, F), jnp.float32),
            pltpu.VMEM((CH, F), jnp.float32),
            pltpu.VMEM_SHARED((NPAD, F), jnp.float32),
            pltpu.SemaphoreType.DMA,
            pltpu.SemaphoreType.DMA,
            pltpu.SemaphoreType.DMA,
            pltpu.SemaphoreType.DMA,
        ],
        compiler_params=pltpu.CompilerParams(needs_layout_passes=False),
    )
    return kfn(ys, src4, dst4, ew4, z2)


B = 1000

_dn = (((1,), (1,)), ((), ()))


def _gru(x, h, wih, whh, bih, bhh):
    gi = lax.dot_general(x, wih, _dn, preferred_element_type=jnp.float32) + bih
    gh = lax.dot_general(h, whh, _dn, preferred_element_type=jnp.float32) + bhh
    i_r, i_z, i_n = gi[:, :HG], gi[:, HG:2 * HG], gi[:, 2 * HG:]
    h_r, h_z, h_n = gh[:, :HG], gh[:, HG:2 * HG], gh[:, 2 * HG:]
    r = jax.nn.sigmoid(i_r + h_r)
    z = jax.nn.sigmoid(i_z + h_z)
    n = jnp.tanh(i_n + r * h_n)
    return (1.0 - z) * n + z * h


def _stage0_body(x_ref, h0_ref, dinv_ref, wlin_ref, blin_ref, wih_ref, whh_ref,
                 bih_ref, bhh_ref, cw_ref, h_out, ys_out):
    x = x_ref[...]
    x1 = jnp.maximum(
        lax.dot_general(x, wlin_ref[...], _dn, preferred_element_type=jnp.float32)
        + blin_ref[...], 0.0)
    h_out[...] = _gru(x1, h0_ref[...], wih_ref[...], whh_ref[...],
                      bih_ref[...], bhh_ref[...])
    ys_out[...] = dinv_ref[...] * lax.dot_general(
        x1, cw_ref[...], _dn, preferred_element_type=jnp.float32)


def _stage_mid_body(agg_ref, ys_ref, dinv_ref, b_ref, h_ref, wih_ref, whh_ref,
                    bih_ref, bhh_ref, cw_ref, h_out, ys_out):
    aggsum = agg_ref[0] + agg_ref[1] + ys_ref[...]
    x = jnp.maximum(dinv_ref[...] * aggsum + b_ref[...], 0.0)
    h_out[...] = _gru(x, h_ref[...], wih_ref[...], whh_ref[...],
                      bih_ref[...], bhh_ref[...])
    ys_out[...] = dinv_ref[...] * lax.dot_general(
        x, cw_ref[...], _dn, preferred_element_type=jnp.float32)


def _stage_last_body(agg_ref, ys_ref, dinv_ref, b_ref, h_ref, wih_ref, whh_ref,
                     bih_ref, bhh_ref, wfc_ref, bfc_ref, o_out):
    aggsum = agg_ref[0] + agg_ref[1] + ys_ref[...]
    x = jnp.maximum(dinv_ref[...] * aggsum + b_ref[...], 0.0)
    h = _gru(x, h_ref[...], wih_ref[...], whh_ref[...], bih_ref[...], bhh_ref[...])
    o_out[...] = (lax.dot_general(h, wfc_ref[...], _dn,
                                  preferred_element_type=jnp.float32)
                  + bfc_ref[...])


def _row_spec(w):
    return pl.BlockSpec((B, w), lambda i: (i, 0))


def _full_spec(shape):
    nd = len(shape)
    return pl.BlockSpec(shape, lambda i: (0,) * nd)


def _stage0(x, h0, dinv, wlin, blin, wih, whh, bih, bhh, cw0):
    grid = (N // B,)
    return pl.pallas_call(
        _stage0_body,
        grid=grid,
        in_specs=[
            _row_spec(F), _row_spec(HG), _row_spec(1),
            _full_spec((F, F)), _full_spec((1, F)),
            _full_spec((3 * HG, F)), _full_spec((3 * HG, HG)),
            _full_spec((1, 3 * HG)), _full_spec((1, 3 * HG)),
            _full_spec((F, F)),
        ],
        out_specs=[_row_spec(HG), _row_spec(F)],
        out_shape=[jax.ShapeDtypeStruct((N, HG), jnp.float32),
                   jax.ShapeDtypeStruct((N, F), jnp.float32)],
    )(x, h0, dinv, wlin, blin, wih, whh, bih, bhh, cw0)


def _agg_spec():
    return pl.BlockSpec((NC, B, F), lambda i: (0, i, 0))


def _stage_mid(agg, ys, dinv, b, h, wih, whh, bih, bhh, cw):
    grid = (N // B,)
    return pl.pallas_call(
        _stage_mid_body,
        grid=grid,
        in_specs=[
            _agg_spec(), _row_spec(F), _row_spec(1), _full_spec((1, F)),
            _row_spec(HG),
            _full_spec((3 * HG, F)), _full_spec((3 * HG, HG)),
            _full_spec((1, 3 * HG)), _full_spec((1, 3 * HG)),
            _full_spec((F, F)),
        ],
        out_specs=[_row_spec(HG), _row_spec(F)],
        out_shape=[jax.ShapeDtypeStruct((N, HG), jnp.float32),
                   jax.ShapeDtypeStruct((N, F), jnp.float32)],
    )(agg, ys, dinv, b, h, wih, whh, bih, bhh, cw)


def _stage_last(agg, ys, dinv, b, h, wih, whh, bih, bhh, wfc, bfc):
    grid = (N // B,)
    return pl.pallas_call(
        _stage_last_body,
        grid=grid,
        in_specs=[
            _agg_spec(), _row_spec(F), _row_spec(1), _full_spec((1, F)),
            _row_spec(HG),
            _full_spec((3 * HG, F)), _full_spec((3 * HG, HG)),
            _full_spec((1, 3 * HG)), _full_spec((1, 3 * HG)),
            _full_spec((C, HG)), _full_spec((1, C)),
        ],
        out_specs=[_row_spec(C)],
        out_shape=[jax.ShapeDtypeStruct((N, C), jnp.float32)],
    )(agg, ys, dinv, b, h, wih, whh, bih, bhh, wfc, bfc)[0]


def kernel(x, edge_index, edge_weight, h0, W_lin, b_lin, w_ih, w_hh, b_ih, b_hh,
           convW, convb, W_fc, b_fc):
    src = edge_index[0]
    dst = edge_index[1]
    pad = EPAD - E
    src4 = jnp.concatenate([src, jnp.zeros((pad,), jnp.int32)]).reshape(NC, NS, KCH, CH)
    dst4 = jnp.concatenate([dst, jnp.zeros((pad,), jnp.int32)]).reshape(NC, NS, KCH, CH)
    ew_pad = jnp.concatenate([edge_weight, jnp.zeros((pad,), jnp.float32)])
    ew4 = ew_pad.reshape(NC, NS, KCH, CH)
    ew3 = ew_pad.reshape(NC, NS, EPT)
    z1 = jnp.zeros((RPT,), jnp.float32)
    z2 = jnp.zeros((RPT // 2, F), jnp.float32)

    degp = _sc_deg(dst4, ew4, z1)
    deg = degp[0, :N] + degp[1, :N] + 1.0
    dinv = lax.rsqrt(deg).reshape(N, 1)

    blin = b_lin.reshape(1, F)
    bih = b_ih.reshape(1, 3 * HG)
    bhh = b_hh.reshape(1, 3 * HG)
    bfc = b_fc.reshape(1, C)

    h, ys = _stage0(x, h0, dinv, W_lin, blin, w_ih, w_hh, bih, bhh, convW[0])
    for i in range(3):
        agg = _sc_conv(ys, src4, dst4, ew3, z2)
        bi = convb[i].reshape(1, F)
        if i < 2:
            h, ys = _stage_mid(agg, ys, dinv, bi, h, w_ih, w_hh, bih, bhh,
                               convW[i + 1])
        else:
            out = _stage_last(agg, ys, dinv, bi, h, w_ih, w_hh, bih, bhh,
                              W_fc, bfc)
    return out

# --- scband reference (transcript-rebuilt; emitter-appended) ---
"""Pipeline reference for scband-gcn-85237920957105 (READ-ONLY COPY).

The authoritative reference and input builder live on the scoring server;
editing this copy changes nothing except your own understanding.
"""

import jax, jax.numpy as jnp
import numpy as np

N = 10000
E = 320000
F_IN = 128
H = 128
HG = 128
L = 3
C = 40


def setup_inputs(seed: int = 0):
    key = jax.random.key(seed)
    ks = jax.random.split(key, 20)
    x = jax.random.normal(ks[0], (N, F_IN), dtype=jnp.float32)
    edge_index = jax.random.randint(ks[1], (2, E), 0, N, dtype=jnp.int32)
    edge_weight = jax.random.uniform(ks[2], (E,), dtype=jnp.float32)
    h0 = jax.random.normal(ks[3], (N, HG), dtype=jnp.float32)
    s_h = 1.0 / np.sqrt(H)
    s_f = 1.0 / np.sqrt(F_IN)
    s_g = 1.0 / np.sqrt(HG)
    W_lin = jax.random.normal(ks[4], (H, F_IN), dtype=jnp.float32) * s_f
    b_lin = jnp.zeros((H,), dtype=jnp.float32)
    w_ih = jax.random.normal(ks[5], (3 * HG, H), dtype=jnp.float32) * s_h
    w_hh = jax.random.normal(ks[6], (3 * HG, HG), dtype=jnp.float32) * s_g
    b_ih = jnp.zeros((3 * HG,), dtype=jnp.float32)
    b_hh = jnp.zeros((3 * HG,), dtype=jnp.float32)
    convW = jax.random.normal(ks[7], (L, H, H), dtype=jnp.float32) * s_h
    convb = jnp.zeros((L, H), dtype=jnp.float32)
    W_fc = jax.random.normal(ks[8], (C, HG), dtype=jnp.float32) * s_g
    b_fc = jnp.zeros((C,), dtype=jnp.float32)
    return {"x": x, "edge_index": edge_index, "edge_weight": edge_weight, "h0": h0,
            "W_lin": W_lin, "b_lin": b_lin, "w_ih": w_ih, "w_hh": w_hh,
            "b_ih": b_ih, "b_hh": b_hh, "convW": convW, "convb": convb,
            "W_fc": W_fc, "b_fc": b_fc}


def _gru_cell(x, h, w_ih, w_hh, b_ih, b_hh):
    gi = x @ w_ih.T + b_ih
    gh = h @ w_hh.T + b_hh
    i_r, i_z, i_n = jnp.split(gi, 3, axis=1)
    h_r, h_z, h_n = jnp.split(gh, 3, axis=1)
    r = jax.nn.sigmoid(i_r + h_r)
    z = jax.nn.sigmoid(i_z + h_z)
    n = jnp.tanh(i_n + r * h_n)
    return (1.0 - z) * n + z * h


def _gcn_conv(x, edge_index, edge_weight, W, b):
    n = x.shape[0]
    src = edge_index[0]
    dst = edge_index[1]
    loop = jnp.arange(n, dtype=src.dtype)
    src = jnp.concatenate([src, loop])
    dst = jnp.concatenate([dst, loop])
    ew = jnp.concatenate([edge_weight, jnp.ones((n,), dtype=edge_weight.dtype)])
    deg = jnp.zeros((n,), dtype=jnp.float32).at[dst].add(ew)
    dinv = jnp.where(deg > 0, 1.0 / jnp.sqrt(deg), 0.0)
    norm = dinv[src] * ew * dinv[dst]
    xw = x @ W.T
    msg = xw[src] * norm[:, None]
    out = jnp.zeros_like(xw).at[dst].add(msg)
    return out + b


def reference(x, edge_index, edge_weight, h0, W_lin, b_lin, w_ih, w_hh, b_ih, b_hh, convW, convb, W_fc, b_fc):
    h = h0
    x = jax.nn.relu(x @ W_lin.T + b_lin)
    h = _gru_cell(x, h, w_ih, w_hh, b_ih, b_hh)
    for i in range(L):
        x = jax.nn.relu(_gcn_conv(x, edge_index, edge_weight, convW[i], convb[i]))
        h = _gru_cell(x, h, w_ih, w_hh, b_ih, b_hh)
    return h @ W_fc.T + b_fc

if __name__ == "__main__":
    import jax
    _d = setup_inputs()
    print(jax.jit(kernel)(*tuple(_d.values())))

</pallas_src>

<mosaic_0001>
#map = affine_map<(d0, d1) -> (0, 0, 0, 0)>
#map1 = affine_map<(d0, d1) -> (0)>
#map2 = affine_map<(d0, d1) -> (0, 0)>
module attributes {stable_mosaic.version = 14 : i64} {
  func.func @_sc_deg_body(%arg0: i32, %arg1: i32, %arg2: memref<2x16x80x128xi32, #tpu.memory_space<hbm>>, %arg3: memref<2x16x80x128xf32, #tpu.memory_space<hbm>>, %arg4: memref<640xf32, #tpu.memory_space<hbm>>, %arg5: memref<2x10240xf32, #tpu.memory_space<hbm>>, %arg6: memref<80x128xi32, #tpu.memory_space<vmem>>, %arg7: memref<80x128xf32, #tpu.memory_space<vmem>>, %arg8: memref<10240xf32, #tpu.memory_space<vmem_shared>>, %arg9: memref<!tpu.dma_semaphore, #tpu.memory_space<semaphore_mem>>) attributes {dimension_semantics = [#tpu.dimension_semantics<core_parallel>, #tpu.dimension_semantics<subcore_parallel>], iteration_bounds = array<i64: 2, 16>, scalar_prefetch = 0 : i64, scratch_operands = 4 : i64, tpu.core_type = #tpu.core_type<sc_vector_subcore>, window_params = [{transform_indices = #map}, {transform_indices = #map}, {transform_indices = #map1}, {transform_indices = #map2}]} {
    %mul3A = arith.constant 640 : i32
    %mul3A_0 = arith.muli %arg1, %mul3A : i32
    "tpu.region"() ({
      %run_scoped3A = tpu.sem_alloc : memref<!tpu.dma_semaphore, #tpu.memory_space<semaphore_mem>>
      %dma_start3A = tpu.memref_slice %arg8[%mul3A_0] : memref<10240xf32, #tpu.memory_space<vmem_shared>> -> memref<640xf32, #tpu.memory_space<vmem_shared>>
      tpu.enqueue_dma source(%arg4 : memref<640xf32, #tpu.memory_space<hbm>>) target(%dma_start3A : memref<640xf32, #tpu.memory_space<vmem_shared>>) target_semaphore(%run_scoped3A : memref<!tpu.dma_semaphore, #tpu.memory_space<semaphore_mem>>)
      %dma_wait3A = tpu.memref_slice %arg8[%mul3A_0] : memref<10240xf32, #tpu.memory_space<vmem_shared>> -> memref<640xf32, #tpu.memory_space<vmem_shared>>
      tpu.wait_dma2 semaphore(%run_scoped3A : memref<!tpu.dma_semaphore, #tpu.memory_space<semaphore_mem>>) src(%arg4 : memref<640xf32, #tpu.memory_space<hbm>>) dst(%dma_wait3A : memref<640xf32, #tpu.memory_space<vmem_shared>>)
      tpu.yield
    }) : () -> ()
    "tpu.region"() ({
      %run_scoped3A = tpu.sem_alloc : memref<!tpu.dma_semaphore, #tpu.memory_space<semaphore_mem>>
      %dma_start3A = arith.constant 0 : i32
      %dma_start3A_11 = arith.constant 0 : i32
      %dma_start3A_12 = tpu.memref_slice %arg2[%arg0, %arg1, %dma_start3A, %dma_start3A_11] : memref<2x16x80x128xi32, #tpu.memory_space<hbm>> -> memref<1x1x80x128xi32, #tpu.memory_space<hbm>>
      %dma_start3A_13 = tpu.memref_squeeze %dma_start3A_12 : memref<1x1x80x128xi32, #tpu.memory_space<hbm>> -> memref<80x128xi32, #tpu.memory_space<hbm>>
      %dma_start3A_14 = arith.constant 0 : i32
      %dma_start3A_15 = arith.constant 0 : i32
      %dma_start3A_16 = tpu.memref_slice %arg2[%arg0, %arg1, %dma_start3A_14, %dma_start3A_15] : memref<2x16x80x128xi32, #tpu.memory_space<hbm>> -> memref<1x1x80x128xi32, #tpu.memory_space<hbm>>
      %dma_start3A_17 = tpu.memref_squeeze %dma_start3A_16 : memref<1x1x80x128xi32, #tpu.memory_space<hbm>> -> memref<80x128xi32, #tpu.memory_space<hbm>>
      tpu.enqueue_dma source(%dma_start3A_17 : memref<80x128xi32, #tpu.memory_space<hbm>>) target(%arg6 : memref<80x128xi32, #tpu.memory_space<vmem>>) target_semaphore(%run_scoped3A : memref<!tpu.dma_semaphore, #tpu.memory_space<semaphore_mem>>)
      %dma_wait3A = arith.constant 0 : i32
      %dma_wait3A_18 = arith.constant 0 : i32
      %dma_wait3A_19 = tpu.memref_slice %arg2[%arg0, %arg1, %dma_wait3A, %dma_wait3A_18] : memref<2x16x80x128xi32, #tpu.memory_space<hbm>> -> memref<1x1x80x128xi32, #tpu.memory_space<hbm>>
      %dma_wait3A_20 = tpu.memref_squeeze %dma_wait3A_19 : memref<1x1x80x128xi32, #tpu.memory_space<hbm>> -> memref<80x128xi32, #tpu.memory_space<hbm>>
      %dma_wait3A_21 = arith.constant 0 : i32
      %dma_wait3A_22 = arith.constant 0 : i32
      %dma_wait3A_23 = tpu.memref_slice %arg2[%arg0, %arg1, %dma_wait3A_21, %dma_wait3A_22] : memref<2x16x80x128xi32, #tpu.memory_space<hbm>> -> memref<1x1x80x128xi32, #tpu.memory_space<hbm>>
      %dma_wait3A_24 = tpu.memref_squeeze %dma_wait3A_23 : memref<1x1x80x128xi32, #tpu.memory_space<hbm>> -> memref<80x128xi32, #tpu.memory_space<hbm>>
      tpu.wait_dma2 semaphore(%run_scoped3A : memref<!tpu.dma_semaphore, #tpu.memory_space<semaphore_mem>>) src(%dma_wait3A_24 : memref<80x128xi32, #tpu.memory_space<hbm>>) dst(%arg6 : memref<80x128xi32, #tpu.memory_space<vmem>>)
      tpu.yield
    }) : () -> ()
    "tpu.region"() ({
      %run_scoped3A = tpu.sem_alloc : memref<!tpu.dma_semaphore, #tpu.memory_space<semaphore_mem>>
      %dma_start3A = arith.constant 0 : i32
      %dma_start3A_11 = arith.constant 0 : i32
      %dma_start3A_12 = tpu.memref_slice %arg3[%arg0, %arg1, %dma_start3A, %dma_start3A_11] : memref<2x16x80x128xf32, #tpu.memory_space<hbm>> -> memref<1x1x80x128xf32, #tpu.memory_space<hbm>>
      %dma_start3A_13 = tpu.memref_squeeze %dma_start3A_12 : memref<1x1x80x128xf32, #tpu.memory_space<hbm>> -> memref<80x128xf32, #tpu.memory_space<hbm>>
      %dma_start3A_14 = arith.constant 0 : i32
      %dma_start3A_15 = arith.constant 0 : i32
      %dma_start3A_16 = tpu.memref_slice %arg3[%arg0, %arg1, %dma_start3A_14, %dma_start3A_15] : memref<2x16x80x128xf32, #tpu.memory_space<hbm>> -> memref<1x1x80x128xf32, #tpu.memory_space<hbm>>
      %dma_start3A_17 = tpu.memref_squeeze %dma_start3A_16 : memref<1x1x80x128xf32, #tpu.memory_space<hbm>> -> memref<80x128xf32, #tpu.memory_space<hbm>>
      tpu.enqueue_dma source(%dma_start3A_17 : memref<80x128xf32, #tpu.memory_space<hbm>>) target(%arg7 : memref<80x128xf32, #tpu.memory_space<vmem>>) target_semaphore(%run_scoped3A : memref<!tpu.dma_semaphore, #tpu.memory_space<semaphore_mem>>)
      %dma_wait3A = arith.constant 0 : i32
      %dma_wait3A_18 = arith.constant 0 : i32
      %dma_wait3A_19 = tpu.memref_slice %arg3[%arg0, %arg1, %dma_wait3A, %dma_wait3A_18] : memref<2x16x80x128xf32, #tpu.memory_space<hbm>> -> memref<1x1x80x128xf32, #tpu.memory_space<hbm>>
      %dma_wait3A_20 = tpu.memref_squeeze %dma_wait3A_19 : memref<1x1x80x128xf32, #tpu.memory_space<hbm>> -> memref<80x128xf32, #tpu.memory_space<hbm>>
      %dma_wait3A_21 = arith.constant 0 : i32
      %dma_wait3A_22 = arith.constant 0 : i32
      %dma_wait3A_23 = tpu.memref_slice %arg3[%arg0, %arg1, %dma_wait3A_21, %dma_wait3A_22] : memref<2x16x80x128xf32, #tpu.memory_space<hbm>> -> memref<1x1x80x128xf32, #tpu.memory_space<hbm>>
      %dma_wait3A_24 = tpu.memref_squeeze %dma_wait3A_23 : memref<1x1x80x128xf32, #tpu.memory_space<hbm>> -> memref<80x128xf32, #tpu.memory_space<hbm>>
      tpu.wait_dma2 semaphore(%run_scoped3A : memref<!tpu.dma_semaphore, #tpu.memory_space<semaphore_mem>>) src(%dma_wait3A_24 : memref<80x128xf32, #tpu.memory_space<hbm>>) dst(%arg7 : memref<80x128xf32, #tpu.memory_space<vmem>>)
      tpu.yield
    }) : () -> ()
    %barrier3A = arith.constant 0 : index
    tpu.barrier barrier_id(%barrier3A)
    %scan3A = arith.constant 0 : i32
    %scan3A_1 = arith.constant 0 : i32
    %scan3A_2 = arith.constant 80 : i32
    %scan3A_3 = arith.addi %scan3A_1, %scan3A_2 : i32
    %scan3A_4 = arith.constant 1 : i32
    scf.for %scan3A_11 = %scan3A_1 to %scan3A_3 step %scan3A_4  : i32 {
      "tpu.region"() ({
        %run_scoped3A = tpu.sem_alloc : memref<!tpu.dma_semaphore, #tpu.memory_space<semaphore_mem>>
        %dma_start3A = arith.constant 0 : i32
        %dma_start3A_12 = tpu.memref_slice %arg7[%scan3A_11, %dma_start3A] : memref<80x128xf32, #tpu.memory_space<vmem>> -> memref<1x128xf32, #tpu.memory_space<vmem>>
        %dma_start3A_13 = tpu.memref_squeeze %dma_start3A_12 : memref<1x128xf32, #tpu.memory_space<vmem>> -> memref<128xf32, #tpu.memory_space<vmem>>
        %dma_start3A_14 = arith.constant 0 : i32
        %dma_start3A_15 = tpu.memref_slice %arg6[%scan3A_11, %dma_start3A_14] : memref<80x128xi32, #tpu.memory_space<vmem>> -> memref<1x128xi32, #tpu.memory_space<vmem>>
        %dma_start3A_16 = tpu.memref_squeeze %dma_start3A_15 : memref<1x128xi32, #tpu.memory_space<vmem>> -> memref<128xi32, #tpu.memory_space<vmem>>
        %dma_start3A_17 = arith.constant 0 : i32
        %dma_start3A_18 = tpu.memref_slice %arg8[%dma_start3A_17] : memref<10240xf32, #tpu.memory_space<vmem_shared>> -> memref<10240xf32, #tpu.memory_space<vmem_shared>>
        tpu.enqueue_indirect_dma source(%dma_start3A_13 : memref<128xf32, #tpu.memory_space<vmem>>) target(%dma_start3A_18 : memref<10240xf32, #tpu.memory_space<vmem_shared>>) offsets(%dma_start3A_16 : memref<128xi32, #tpu.memory_space<vmem>>) semaphore(%run_scoped3A : memref<!tpu.dma_semaphore, #tpu.memory_space<semaphore_mem>>) {add = true}
        %dma_wait3A = arith.constant 0 : i32
        %dma_wait3A_19 = tpu.memref_slice %arg7[%scan3A_11, %dma_wait3A] : memref<80x128xf32, #tpu.memory_space<vmem>> -> memref<1x128xf32, #tpu.memory_space<vmem>>
        %dma_wait3A_20 = tpu.memref_squeeze %dma_wait3A_19 : memref<1x128xf32, #tpu.memory_space<vmem>> -> memref<128xf32, #tpu.memory_space<vmem>>
        %dma_wait3A_21 = arith.constant 0 : i32
        %dma_wait3A_22 = tpu.memref_slice %arg6[%scan3A_11, %dma_wait3A_21] : memref<80x128xi32, #tpu.memory_space<vmem>> -> memref<1x128xi32, #tpu.memory_space<vmem>>
        %dma_wait3A_23 = tpu.memref_squeeze %dma_wait3A_22 : memref<1x128xi32, #tpu.memory_space<vmem>> -> memref<128xi32, #tpu.memory_space<vmem>>
        %dma_wait3A_24 = arith.constant 0 : i32
        %dma_wait3A_25 = tpu.memref_slice %arg8[%dma_wait3A_24] : memref<10240xf32, #tpu.memory_space<vmem_shared>> -> memref<10240xf32, #tpu.memory_space<vmem_shared>>
        tpu.wait_indirect_dma semaphore(%run_scoped3A : memref<!tpu.dma_semaphore, #tpu.memory_space<semaphore_mem>>) src(%dma_wait3A_20 : memref<128xf32, #tpu.memory_space<vmem>>) dst(%dma_wait3A_25 : memref<10240xf32, #tpu.memory_space<vmem_shared>>)
        tpu.yield
      }) : () -> ()
    }
    %scan3A_5 = arith.constant 80 : i32
    %barrier3A_6 = arith.constant 0 : index
    tpu.barrier barrier_id(%barrier3A_6)
    %mul3A_7 = arith.constant 640 : i32
    %mul3A_8 = arith.muli %arg1, %mul3A_7 : i32
    %mul3A_9 = arith.constant 640 : i32
    %mul3A_10 = arith.muli %arg1, %mul3A_9 : i32
    "tpu.region"() ({
      %run_scoped3A = tpu.sem_alloc : memref<!tpu.dma_semaphore, #tpu.memory_space<semaphore_mem>>
      %dma_start3A = tpu.memref_slice %arg5[%arg0, %mul3A_10] : memref<2x10240xf32, #tpu.memory_space<hbm>> -> memref<1x640xf32, #tpu.memory_space<hbm>>
      %dma_start3A_11 = tpu.memref_squeeze %dma_start3A : memref<1x640xf32, #tpu.memory_space<hbm>> -> memref<640xf32, #tpu.memory_space<hbm>>
      %dma_start3A_12 = tpu.memref_slice %arg8[%mul3A_8] : memref<10240xf32, #tpu.memory_space<vmem_shared>> -> memref<640xf32, #tpu.memory_space<vmem_shared>>
      tpu.enqueue_dma source(%dma_start3A_12 : memref<640xf32, #tpu.memory_space<vmem_shared>>) target(%dma_start3A_11 : memref<640xf32, #tpu.memory_space<hbm>>) target_semaphore(%run_scoped3A : memref<!tpu.dma_semaphore, #tpu.memory_space<semaphore_mem>>)
      %dma_wait3A = tpu.memref_slice %arg5[%arg0, %mul3A_10] : memref<2x10240xf32, #tpu.memory_space<hbm>> -> memref<1x640xf32, #tpu.memory_space<hbm>>
      %dma_wait3A_13 = tpu.memref_squeeze %dma_wait3A : memref<1x640xf32, #tpu.memory_space<hbm>> -> memref<640xf32, #tpu.memory_space<hbm>>
      %dma_wait3A_14 = tpu.memref_slice %arg8[%mul3A_8] : memref<10240xf32, #tpu.memory_space<vmem_shared>> -> memref<640xf32, #tpu.memory_space<vmem_shared>>
      tpu.wait_dma2 semaphore(%run_scoped3A : memref<!tpu.dma_semaphore, #tpu.memory_space<semaphore_mem>>) src(%dma_wait3A_14 : memref<640xf32, #tpu.memory_space<vmem_shared>>) dst(%dma_wait3A_13 : memref<640xf32, #tpu.memory_space<hbm>>)
      tpu.yield
    }) : () -> ()
    return
  }
}

#map = affine_map<(d0, d1) -> (0, 0)>
#map1 = affine_map<(d0, d1) -> (0, 0, 0, 0)>
#map2 = affine_map<(d0, d1) -> (0, 0, 0)>
module attributes {stable_mosaic.version = 14 : i64} {
  func.func @_sc_conv_body(%arg0: i32, %arg1: i32, %arg2: memref<10000x128xf32, #tpu.memory_space<hbm>>, %arg3: memref<2x16x80x128xi32, #tpu.memory_space<hbm>>, %arg4: memref<2x16x80x128xi32, #tpu.memory_space<hbm>>, %arg5: memref<2x16x10240xf32, #tpu.memory_space<hbm>>, %arg6: memref<320x128xf32, #tpu.memory_space<hbm>>, %arg7: memref<2x10240x128xf32, #tpu.memory_space<hbm>>, %arg8: memref<80x128xi32, #tpu.memory_space<vmem>>, %arg9: memref<80x128xi32, #tpu.memory_space<vmem>>, %arg10: memref<10240xf32, #tpu.memory_space<vmem>>, %arg11: memref<128x128xf32, #tpu.memory_space<vmem>>, %arg12: memref<128x128xf32, #tpu.memory_space<vmem>>, %arg13: memref<128x128xf32, #tpu.memory_space<vmem>>, %arg14: memref<128x128xf32, #tpu.memory_space<vmem>>, %arg15: memref<10240x128xf32, #tpu.memory_space<vmem_shared>>, %arg16: memref<!tpu.dma_semaphore, #tpu.memory_space<semaphore_mem>>, %arg17: memref<!tpu.dma_semaphore, #tpu.memory_space<semaphore_mem>>, %arg18: memref<!tpu.dma_semaphore, #tpu.memory_space<semaphore_mem>>, %arg19: memref<!tpu.dma_semaphore, #tpu.memory_space<semaphore_mem>>) attributes {dimension_semantics = [#tpu.dimension_semantics<core_parallel>, #tpu.dimension_semantics<subcore_parallel>], iteration_bounds = array<i64: 2, 16>, scalar_prefetch = 0 : i64, scratch_operands = 12 : i64, tpu.core_type = #tpu.core_type<sc_vector_subcore>, window_params = [{transform_indices = #map}, {transform_indices = #map1}, {transform_indices = #map1}, {transform_indices = #map2}, {transform_indices = #map}, {transform_indices = #map2}]} {
    %mul3A = arith.constant 640 : i32
    %mul3A_0 = arith.muli %arg1, %mul3A : i32
    "tpu.region"() ({
      %run_scoped3A = tpu.sem_alloc : memref<!tpu.dma_semaphore, #tpu.memory_space<semaphore_mem>>
      %dma_start3A = arith.constant 0 : i32
      %dma_start3A_14 = tpu.memref_slice %arg15[%mul3A_0, %dma_start3A] : memref<10240x128xf32, #tpu.memory_space<vmem_shared>> -> memref<320x128xf32, #tpu.memory_space<vmem_shared>>
      tpu.enqueue_dma source(%arg6 : memref<320x128xf32, #tpu.memory_space<hbm>>) target(%dma_start3A_14 : memref<320x128xf32, #tpu.memory_space<vmem_shared>>) target_semaphore(%run_scoped3A : memref<!tpu.dma_semaphore, #tpu.memory_space<semaphore_mem>>)
      %dma_wait3A = arith.constant 0 : i32
      %dma_wait3A_15 = tpu.memref_slice %arg15[%mul3A_0, %dma_wait3A] : memref<10240x128xf32, #tpu.memory_space<vmem_shared>> -> memref<320x128xf32, #tpu.memory_space<vmem_shared>>
      tpu.wait_dma2 semaphore(%run_scoped3A : memref<!tpu.dma_semaphore, #tpu.memory_space<semaphore_mem>>) src(%arg6 : memref<320x128xf32, #tpu.memory_space<hbm>>) dst(%dma_wait3A_15 : memref<320x128xf32, #tpu.memory_space<vmem_shared>>)
      tpu.yield
    }) : () -> ()
    %mul3A_1 = arith.constant 640 : i32
    %mul3A_2 = arith.muli %arg1, %mul3A_1 : i32
    %add3A = arith.constant 320 : i32
    %add3A_3 = arith.addi %mul3A_2, %add3A : i32
    "tpu.region"() ({
      %run_scoped3A = tpu.sem_alloc : memref<!tpu.dma_semaphore, #tpu.memory_space<semaphore_mem>>
      %dma_start3A = arith.constant 0 : i32
      %dma_start3A_14 = tpu.memref_slice %arg15[%add3A_3, %dma_start3A] : memref<10240x128xf32, #tpu.memory_space<vmem_shared>> -> memref<320x128xf32, #tpu.memory_space<vmem_shared>>
      tpu.enqueue_dma source(%arg6 : memref<320x128xf32, #tpu.memory_space<hbm>>) target(%dma_start3A_14 : memref<320x128xf32, #tpu.memory_space<vmem_shared>>) target_semaphore(%run_scoped3A : memref<!tpu.dma_semaphore, #tpu.memory_space<semaphore_mem>>)
      %dma_wait3A = arith.constant 0 : i32
      %dma_wait3A_15 = tpu.memref_slice %arg15[%add3A_3, %dma_wait3A] : memref<10240x128xf32, #tpu.memory_space<vmem_shared>> -> memref<320x128xf32, #tpu.memory_space<vmem_shared>>
      tpu.wait_dma2 semaphore(%run_scoped3A : memref<!tpu.dma_semaphore, #tpu.memory_space<semaphore_mem>>) src(%arg6 : memref<320x128xf32, #tpu.memory_space<hbm>>) dst(%dma_wait3A_15 : memref<320x128xf32, #tpu.memory_space<vmem_shared>>)
      tpu.yield
    }) : () -> ()
    "tpu.region"() ({
      %run_scoped3A = tpu.sem_alloc : memref<!tpu.dma_semaphore, #tpu.memory_space<semaphore_mem>>
      %dma_start3A = arith.constant 0 : i32
      %dma_start3A_14 = arith.constant 0 : i32
      %dma_start3A_15 = tpu.memref_slice %arg3[%arg0, %arg1, %dma_start3A, %dma_start3A_14] : memref<2x16x80x128xi32, #tpu.memory_space<hbm>> -> memref<1x1x80x128xi32, #tpu.memory_space<hbm>>
      %dma_start3A_16 = tpu.memref_squeeze %dma_start3A_15 : memref<1x1x80x128xi32, #tpu.memory_space<hbm>> -> memref<80x128xi32, #tpu.memory_space<hbm>>
      %dma_start3A_17 = arith.constant 0 : i32
      %dma_start3A_18 = arith.constant 0 : i32
      %dma_start3A_19 = tpu.memref_slice %arg3[%arg0, %arg1, %dma_start3A_17, %dma_start3A_18] : memref<2x16x80x128xi32, #tpu.memory_space<hbm>> -> memref<1x1x80x128xi32, #tpu.memory_space<hbm>>
      %dma_start3A_20 = tpu.memref_squeeze %dma_start3A_19 : memref<1x1x80x128xi32, #tpu.memory_space<hbm>> -> memref<80x128xi32, #tpu.memory_space<hbm>>
      tpu.enqueue_dma source(%dma_start3A_20 : memref<80x128xi32, #tpu.memory_space<hbm>>) target(%arg8 : memref<80x128xi32, #tpu.memory_space<vmem>>) target_semaphore(%run_scoped3A : memref<!tpu.dma_semaphore, #tpu.memory_space<semaphore_mem>>)
      %dma_wait3A = arith.constant 0 : i32
      %dma_wait3A_21 = arith.constant 0 : i32
      %dma_wait3A_22 = tpu.memref_slice %arg3[%arg0, %arg1, %dma_wait3A, %dma_wait3A_21] : memref<2x16x80x128xi32, #tpu.memory_space<hbm>> -> memref<1x1x80x128xi32, #tpu.memory_space<hbm>>
      %dma_wait3A_23 = tpu.memref_squeeze %dma_wait3A_22 : memref<1x1x80x128xi32, #tpu.memory_space<hbm>> -> memref<80x128xi32, #tpu.memory_space<hbm>>
      %dma_wait3A_24 = arith.constant 0 : i32
      %dma_wait3A_25 = arith.constant 0 : i32
      %dma_wait3A_26 = tpu.memref_slice %arg3[%arg0, %arg1, %dma_wait3A_24, %dma_wait3A_25] : memref<2x16x80x128xi32, #tpu.memory_space<hbm>> -> memref<1x1x80x128xi32, #tpu.memory_space<hbm>>
      %dma_wait3A_27 = tpu.memref_squeeze %dma_wait3A_26 : memref<1x1x80x128xi32, #tpu.memory_space<hbm>> -> memref<80x128xi32, #tpu.memory_space<hbm>>
      tpu.wait_dma2 semaphore(%run_scoped3A : memref<!tpu.dma_semaphore, #tpu.memory_space<semaphore_mem>>) src(%dma_wait3A_27 : memref<80x128xi32, #tpu.memory_space<hbm>>) dst(%arg8 : memref<80x128xi32, #tpu.memory_space<vmem>>)
      tpu.yield
    }) : () -> ()
    "tpu.region"() ({
      %run_scoped3A = tpu.sem_alloc : memref<!tpu.dma_semaphore, #tpu.memory_space<semaphore_mem>>
      %dma_start3A = arith.constant 0 : i32
      %dma_start3A_14 = arith.constant 0 : i32
      %dma_start3A_15 = tpu.memref_slice %arg4[%arg0, %arg1, %dma_start3A, %dma_start3A_14] : memref<2x16x80x128xi32, #tpu.memory_space<hbm>> -> memref<1x1x80x128xi32, #tpu.memory_space<hbm>>
      %dma_start3A_16 = tpu.memref_squeeze %dma_start3A_15 : memref<1x1x80x128xi32, #tpu.memory_space<hbm>> -> memref<80x128xi32, #tpu.memory_space<hbm>>
      %dma_start3A_17 = arith.constant 0 : i32
      %dma_start3A_18 = arith.constant 0 : i32
      %dma_start3A_19 = tpu.memref_slice %arg4[%arg0, %arg1, %dma_start3A_17, %dma_start3A_18] : memref<2x16x80x128xi32, #tpu.memory_space<hbm>> -> memref<1x1x80x128xi32, #tpu.memory_space<hbm>>
      %dma_start3A_20 = tpu.memref_squeeze %dma_start3A_19 : memref<1x1x80x128xi32, #tpu.memory_space<hbm>> -> memref<80x128xi32, #tpu.memory_space<hbm>>
      tpu.enqueue_dma source(%dma_start3A_20 : memref<80x128xi32, #tpu.memory_space<hbm>>) target(%arg9 : memref<80x128xi32, #tpu.memory_space<vmem>>) target_semaphore(%run_scoped3A : memref<!tpu.dma_semaphore, #tpu.memory_space<semaphore_mem>>)
      %dma_wait3A = arith.constant 0 : i32
      %dma_wait3A_21 = arith.constant 0 : i32
      %dma_wait3A_22 = tpu.memref_slice %arg4[%arg0, %arg1, %dma_wait3A, %dma_wait3A_21] : memref<2x16x80x128xi32, #tpu.memory_space<hbm>> -> memref<1x1x80x128xi32, #tpu.memory_space<hbm>>
      %dma_wait3A_23 = tpu.memref_squeeze %dma_wait3A_22 : memref<1x1x80x128xi32, #tpu.memory_space<hbm>> -> memref<80x128xi32, #tpu.memory_space<hbm>>
      %dma_wait3A_24 = arith.constant 0 : i32
      %dma_wait3A_25 = arith.constant 0 : i32
      %dma_wait3A_26 = tpu.memref_slice %arg4[%arg0, %arg1, %dma_wait3A_24, %dma_wait3A_25] : memref<2x16x80x128xi32, #tpu.memory_space<hbm>> -> memref<1x1x80x128xi32, #tpu.memory_space<hbm>>
      %dma_wait3A_27 = tpu.memref_squeeze %dma_wait3A_26 : memref<1x1x80x128xi32, #tpu.memory_space<hbm>> -> memref<80x128xi32, #tpu.memory_space<hbm>>
      tpu.wait_dma2 semaphore(%run_scoped3A : memref<!tpu.dma_semaphore, #tpu.memory_space<semaphore_mem>>) src(%dma_wait3A_27 : memref<80x128xi32, #tpu.memory_space<hbm>>) dst(%arg9 : memref<80x128xi32, #tpu.memory_space<vmem>>)
      tpu.yield
    }) : () -> ()
    "tpu.region"() ({
      %run_scoped3A = tpu.sem_alloc : memref<!tpu.dma_semaphore, #tpu.memory_space<semaphore_mem>>
      %dma_start3A = arith.constant 0 : i32
      %dma_start3A_14 = tpu.memref_slice %arg5[%arg0, %arg1, %dma_start3A] : memref<2x16x10240xf32, #tpu.memory_space<hbm>> -> memref<1x1x10240xf32, #tpu.memory_space<hbm>>
      %dma_start3A_15 = tpu.memref_squeeze %dma_start3A_14 : memref<1x1x10240xf32, #tpu.memory_space<hbm>> -> memref<10240xf32, #tpu.memory_space<hbm>>
      %dma_start3A_16 = arith.constant 0 : i32
      %dma_start3A_17 = tpu.memref_slice %arg5[%arg0, %arg1, %dma_start3A_16] : memref<2x16x10240xf32, #tpu.memory_space<hbm>> -> memref<1x1x10240xf32, #tpu.memory_space<hbm>>
      %dma_start3A_18 = tpu.memref_squeeze %dma_start3A_17 : memref<1x1x10240xf32, #tpu.memory_space<hbm>> -> memref<10240xf32, #tpu.memory_space<hbm>>
      tpu.enqueue_dma source(%dma_start3A_18 : memref<10240xf32, #tpu.memory_space<hbm>>) target(%arg10 : memref<10240xf32, #tpu.memory_space<vmem>>) target_semaphore(%run_scoped3A : memref<!tpu.dma_semaphore, #tpu.memory_space<semaphore_mem>>)
      %dma_wait3A = arith.constant 0 : i32
      %dma_wait3A_19 = tpu.memref_slice %arg5[%arg0, %arg1, %dma_wait3A] : memref<2x16x10240xf32, #tpu.memory_space<hbm>> -> memref<1x1x10240xf32, #tpu.memory_space<hbm>>
      %dma_wait3A_20 = tpu.memref_squeeze %dma_wait3A_19 : memref<1x1x10240xf32, #tpu.memory_space<hbm>> -> memref<10240xf32, #tpu.memory_space<hbm>>
      %dma_wait3A_21 = arith.constant 0 : i32
      %dma_wait3A_22 = tpu.memref_slice %arg5[%arg0, %arg1, %dma_wait3A_21] : memref<2x16x10240xf32, #tpu.memory_space<hbm>> -> memref<1x1x10240xf32, #tpu.memory_space<hbm>>
      %dma_wait3A_23 = tpu.memref_squeeze %dma_wait3A_22 : memref<1x1x10240xf32, #tpu.memory_space<hbm>> -> memref<10240xf32, #tpu.memory_space<hbm>>
      tpu.wait_dma2 semaphore(%run_scoped3A : memref<!tpu.dma_semaphore, #tpu.memory_space<semaphore_mem>>) src(%dma_wait3A_23 : memref<10240xf32, #tpu.memory_space<hbm>>) dst(%arg10 : memref<10240xf32, #tpu.memory_space<vmem>>)
      tpu.yield
    }) : () -> ()
    %barrier3A = arith.constant 0 : index
    tpu.barrier barrier_id(%barrier3A)
    %scan3A = arith.constant 0 : i32
    %scan3A_4 = arith.constant 0 : i32
    %scan3A_5 = arith.constant 80 : i32
    %scan3A_6 = arith.addi %scan3A_4, %scan3A_5 : i32
    %scan3A_7 = arith.constant 1 : i32
    scf.for %scan3A_14 = %scan3A_4 to %scan3A_6 step %scan3A_7  : i32 {
      %dma_start3A = arith.constant 0 : i32
      %dma_start3A_15 = tpu.memref_slice %arg8[%scan3A_14, %dma_start3A] : memref<80x128xi32, #tpu.memory_space<vmem>> -> memref<1x128xi32, #tpu.memory_space<vmem>>
      %dma_start3A_16 = tpu.memref_squeeze %dma_start3A_15 : memref<1x128xi32, #tpu.memory_space<vmem>> -> memref<128xi32, #tpu.memory_space<vmem>>
      %dma_start3A_17 = arith.constant 0 : i32
      %dma_start3A_18 = arith.constant 0 : i32
      %dma_start3A_19 = tpu.memref_slice %arg2[%dma_start3A_17, %dma_start3A_18] : memref<10000x128xf32, #tpu.memory_space<hbm>> -> memref<10000x128xf32, #tpu.memory_space<hbm>>
      tpu.enqueue_indirect_dma source(%dma_start3A_19 : memref<10000x128xf32, #tpu.memory_space<hbm>>) target(%arg11 : memref<128x128xf32, #tpu.memory_space<vmem>>) offsets(%dma_start3A_16 : memref<128xi32, #tpu.memory_space<vmem>>) semaphore(%arg16 : memref<!tpu.dma_semaphore, #tpu.memory_space<semaphore_mem>>)
      %dma_wait3A = arith.constant 0 : i32
      %dma_wait3A_20 = tpu.memref_slice %arg8[%scan3A_14, %dma_wait3A] : memref<80x128xi32, #tpu.memory_space<vmem>> -> memref<1x128xi32, #tpu.memory_space<vmem>>
      %dma_wait3A_21 = tpu.memref_squeeze %dma_wait3A_20 : memref<1x128xi32, #tpu.memory_space<vmem>> -> memref<128xi32, #tpu.memory_space<vmem>>
      %dma_wait3A_22 = arith.constant 0 : i32
      %dma_wait3A_23 = arith.constant 0 : i32
      %dma_wait3A_24 = tpu.memref_slice %arg2[%dma_wait3A_22, %dma_wait3A_23] : memref<10000x128xf32, #tpu.memory_space<hbm>> -> memref<10000x128xf32, #tpu.memory_space<hbm>>
      tpu.wait_indirect_dma semaphore(%arg16 : memref<!tpu.dma_semaphore, #tpu.memory_space<semaphore_mem>>) src(%dma_wait3A_24 : memref<10000x128xf32, #tpu.memory_space<hbm>>) dst(%arg11 : memref<128x128xf32, #tpu.memory_space<vmem>>)
      %scan3A_25 = arith.constant 0 : i32
      %scan3A_26 = arith.constant 0 : i32
      %scan3A_27 = arith.constant 128 : i32
      %scan3A_28 = arith.addi %scan3A_26, %scan3A_27 : i32
      %scan3A_29 = arith.constant 1 : i32
      scf.for %scan3A_31 = %scan3A_26 to %scan3A_28 step %scan3A_29  : i32 {
        %mul3A_32 = arith.constant 128 : i32
        %mul3A_33 = arith.muli %scan3A_14, %mul3A_32 : i32
        %add3A_34 = arith.addi %mul3A_33, %scan3A_31 : i32
        %broadcast_in_dim3A = vector.broadcast %add3A_34 : i32 to vector<16xi32>
        %gather3A = tpu.vector_load_idx %arg10[%broadcast_in_dim3A] : memref<10240xf32, #tpu.memory_space<vmem>>[vector<16xi32>], vector<16xf32>,
        %get3A = arith.index_cast %scan3A_31 : i32 to index
        %get3A_35 = arith.constant 0 : index
        %get3A_36 = tpu.vector_load %arg11[%get3A, %get3A_35] {strides = array<i32>} : memref<128x128xf32, #tpu.memory_space<vmem>>, vector<16xf32>,
        %mul3A_37 = arith.mulf %get3A_36, %gather3A : vector<16xf32>
        %swap3A = arith.index_cast %scan3A_31 : i32 to index
        %swap3A_38 = arith.constant 0 : index
        %swap3A_39 = tpu.vector_load %arg11[%swap3A, %swap3A_38] {strides = array<i32>} : memref<128x128xf32, #tpu.memory_space<vmem>>, vector<16xf32>,
        tpu.vector_store %arg11[%swap3A, %swap3A_38], %mul3A_37 {strides = array<i32>} : memref<128x128xf32, #tpu.memory_space<vmem>>, vector<16xf32>,
        %get3A_40 = arith.index_cast %scan3A_31 : i32 to index
        %get3A_41 = arith.constant 16 : index
        %get3A_42 = tpu.vector_load %arg11[%get3A_40, %get3A_41] {strides = array<i32>} : memref<128x128xf32, #tpu.memory_space<vmem>>, vector<16xf32>,
        %mul3A_43 = arith.mulf %get3A_42, %gather3A : vector<16xf32>
        %swap3A_44 = arith.index_cast %scan3A_31 : i32 to index
        %swap3A_45 = arith.constant 16 : index
        %swap3A_46 = tpu.vector_load %arg11[%swap3A_44, %swap3A_45] {strides = array<i32>} : memref<128x128xf32, #tpu.memory_space<vmem>>, vector<16xf32>,
        tpu.vector_store %arg11[%swap3A_44, %swap3A_45], %mul3A_43 {strides = array<i32>} : memref<128x128xf32, #tpu.memory_space<vmem>>, vector<16xf32>,
        %get3A_47 = arith.index_cast %scan3A_31 : i32 to index
        %get3A_48 = arith.constant 32 : index
        %get3A_49 = tpu.vector_load %arg11[%get3A_47, %get3A_48] {strides = array<i32>} : memref<128x128xf32, #tpu.memory_space<vmem>>, vector<16xf32>,
        %mul3A_50 = arith.mulf %get3A_49, %gather3A : vector<16xf32>
        %swap3A_51 = arith.index_cast %scan3A_31 : i32 to index
        %swap3A_52 = arith.constant 32 : index
        %swap3A_53 = tpu.vector_load %arg11[%swap3A_51, %swap3A_52] {strides = array<i32>} : memref<128x128xf32, #tpu.memory_space<vmem>>, vector<16xf32>,
        tpu.vector_store %arg11[%swap3A_51, %swap3A_52], %mul3A_50 {strides = array<i32>} : memref<128x128xf32, #tpu.memory_space<vmem>>, vector<16xf32>,
        %get3A_54 = arith.index_cast %scan3A_31 : i32 to index
        %get3A_55 = arith.constant 48 : index
        %get3A_56 = tpu.vector_load %arg11[%get3A_54, %get3A_55] {strides = array<i32>} : memref<128x128xf32, #tpu.memory_space<vmem>>, vector<16xf32>,
        %mul3A_57 = arith.mulf %get3A_56, %gather3A : vector<16xf32>
        %swap3A_58 = arith.index_cast %scan3A_31 : i32 to index
        %swap3A_59 = arith.constant 48 : index
        %swap3A_60 = tpu.vector_load %arg11[%swap3A_58, %swap3A_59] {strides = array<i32>} : memref<128x128xf32, #tpu.memory_space<vmem>>, vector<16xf32>,
        tpu.vector_store %arg11[%swap3A_58, %swap3A_59], %mul3A_57 {strides = array<i32>} : memref<128x128xf32, #tpu.memory_space<vmem>>, vector<16xf32>,
        %get3A_61 = arith.index_cast %scan3A_31 : i32 to index
        %get3A_62 = arith.constant 64 : index
        %get3A_63 = tpu.vector_load %arg11[%get3A_61, %get3A_62] {strides = array<i32>} : memref<128x128xf32, #tpu.memory_space<vmem>>, vector<16xf32>,
        %mul3A_64 = arith.mulf %get3A_63, %gather3A : vector<16xf32>
        %swap3A_65 = arith.index_cast %scan3A_31 : i32 to index
        %swap3A_66 = arith.constant 64 : index
        %swap3A_67 = tpu.vector_load %arg11[%swap3A_65, %swap3A_66] {strides = array<i32>} : memref<128x128xf32, #tpu.memory_space<vmem>>, vector<16xf32>,
        tpu.vector_store %arg11[%swap3A_65, %swap3A_66], %mul3A_64 {strides = array<i32>} : memref<128x128xf32, #tpu.memory_space<vmem>>, vector<16xf32>,
        %get3A_68 = arith.index_cast %scan3A_31 : i32 to index
        %get3A_69 = arith.constant 80 : index
        %get3A_70 = tpu.vector_load %arg11[%get3A_68, %get3A_69] {strides = array<i32>} : memref<128x128xf32, #tpu.memory_space<vmem>>, vector<16xf32>,
        %mul3A_71 = arith.mulf %get3A_70, %gather3A : vector<16xf32>
        %swap3A_72 = arith.index_cast %scan3A_31 : i32 to index
        %swap3A_73 = arith.constant 80 : index
        %swap3A_74 = tpu.vector_load %arg11[%swap3A_72, %swap3A_73] {strides = array<i32>} : memref<128x128xf32, #tpu.memory_space<vmem>>, vector<16xf32>,
        tpu.vector_store %arg11[%swap3A_72, %swap3A_73], %mul3A_71 {strides = array<i32>} : memref<128x128xf32, #tpu.memory_space<vmem>>, vector<16xf32>,
        %get3A_75 = arith.index_cast %scan3A_31 : i32 to index
        %get3A_76 = arith.constant 96 : index
        %get3A_77 = tpu.vector_load %arg11[%get3A_75, %get3A_76] {strides = array<i32>} : memref<128x128xf32, #tpu.memory_space<vmem>>, vector<16xf32>,
        %mul3A_78 = arith.mulf %get3A_77, %gather3A : vector<16xf32>
        %swap3A_79 = arith.index_cast %scan3A_31 : i32 to index
        %swap3A_80 = arith.constant 96 : index
        %swap3A_81 = tpu.vector_load %arg11[%swap3A_79, %swap3A_80] {strides = array<i32>} : memref<128x128xf32, #tpu.memory_space<vmem>>, vector<16xf32>,
        tpu.vector_store %arg11[%swap3A_79, %swap3A_80], %mul3A_78 {strides = array<i32>} : memref<128x128xf32, #tpu.memory_space<vmem>>, vector<16xf32>,
        %get3A_82 = arith.index_cast %scan3A_31 : i32 to index
        %get3A_83 = arith.constant 112 : index
        %get3A_84 = tpu.vector_load %arg11[%get3A_82, %get3A_83] {strides = array<i32>} : memref<128x128xf32, #tpu.memory_space<vmem>>, vector<16xf32>,
        %mul3A_85 = arith.mulf %get3A_84, %gather3A : vector<16xf32>
        %swap3A_86 = arith.index_cast %scan3A_31 : i32 to index
        %swap3A_87 = arith.constant 112 : index
        %swap3A_88 = tpu.vector_load %arg11[%swap3A_86, %swap3A_87] {strides = array<i32>} : memref<128x128xf32, #tpu.memory_space<vmem>>, vector<16xf32>,
        tpu.vector_store %arg11[%swap3A_86, %swap3A_87], %mul3A_85 {strides = array<i32>} : memref<128x128xf32, #tpu.memory_space<vmem>>, vector<16xf32>,
      }
      %scan3A_30 = arith.constant 128 : i32
      "tpu.region"() ({
        %run_scoped3A = tpu.sem_alloc : memref<!tpu.dma_semaphore, #tpu.memory_space<semaphore_mem>>
        %dma_start3A_31 = arith.constant 0 : i32
        %dma_start3A_32 = tpu.memref_slice %arg9[%scan3A_14, %dma_start3A_31] : memref<80x128xi32, #tpu.memory_space<vmem>> -> memref<1x128xi32, #tpu.memory_space<vmem>>
        %dma_start3A_33 = tpu.memref_squeeze %dma_start3A_32 : memref<1x128xi32, #tpu.memory_space<vmem>> -> memref<128xi32, #tpu.memory_space<vmem>>
        %dma_start3A_34 = arith.constant 0 : i32
        %dma_start3A_35 = arith.constant 0 : i32
        %dma_start3A_36 = tpu.memref_slice %arg15[%dma_start3A_34, %dma_start3A_35] : memref<10240x128xf32, #tpu.memory_space<vmem_shared>> -> memref<10240x128xf32, #tpu.memory_space<vmem_shared>>
        tpu.enqueue_indirect_dma source(%arg11 : memref<128x128xf32, #tpu.memory_space<vmem>>) target(%dma_start3A_36 : memref<10240x128xf32, #tpu.memory_space<vmem_shared>>) offsets(%dma_start3A_33 : memref<128xi32, #tpu.memory_space<vmem>>) semaphore(%run_scoped3A : memref<!tpu.dma_semaphore, #tpu.memory_space<semaphore_mem>>) {add = true}
        %dma_wait3A_37 = arith.constant 0 : i32
        %dma_wait3A_38 = tpu.memref_slice %arg9[%scan3A_14, %dma_wait3A_37] : memref<80x128xi32, #tpu.memory_space<vmem>> -> memref<1x128xi32, #tpu.memory_space<vmem>>
        %dma_wait3A_39 = tpu.memref_squeeze %dma_wait3A_38 : memref<1x128xi32, #tpu.memory_space<vmem>> -> memref<128xi32, #tpu.memory_space<vmem>>
        %dma_wait3A_40 = arith.constant 0 : i32
        %dma_wait3A_41 = arith.constant 0 : i32
        %dma_wait3A_42 = tpu.memref_slice %arg15[%dma_wait3A_40, %dma_wait3A_41] : memref<10240x128xf32, #tpu.memory_space<vmem_shared>> -> memref<10240x128xf32, #tpu.memory_space<vmem_shared>>
        tpu.wait_indirect_dma semaphore(%run_scoped3A : memref<!tpu.dma_semaphore, #tpu.memory_space<semaphore_mem>>) src(%arg11 : memref<128x128xf32, #tpu.memory_space<vmem>>) dst(%dma_wait3A_42 : memref<10240x128xf32, #tpu.memory_space<vmem_shared>>)
        tpu.yield
      }) : () -> ()
    }
    %scan3A_8 = arith.constant 80 : i32
    %barrier3A_9 = arith.constant 0 : index
    tpu.barrier barrier_id(%barrier3A_9)
    %mul3A_10 = arith.constant 640 : i32
    %mul3A_11 = arith.muli %arg1, %mul3A_10 : i32
    %mul3A_12 = arith.constant 640 : i32
    %mul3A_13 = arith.muli %arg1, %mul3A_12 : i32
    "tpu.region"() ({
      %run_scoped3A = tpu.sem_alloc : memref<!tpu.dma_semaphore, #tpu.memory_space<semaphore_mem>>
      %dma_start3A = arith.constant 0 : i32
      %dma_start3A_14 = tpu.memref_slice %arg7[%arg0, %mul3A_13, %dma_start3A] : memref<2x10240x128xf32, #tpu.memory_space<hbm>> -> memref<1x640x128xf32, #tpu.memory_space<hbm>>
      %dma_start3A_15 = tpu.memref_squeeze %dma_start3A_14 : memref<1x640x128xf32, #tpu.memory_space<hbm>> -> memref<640x128xf32, #tpu.memory_space<hbm>>
      %dma_start3A_16 = arith.constant 0 : i32
      %dma_start3A_17 = tpu.memref_slice %arg15[%mul3A_11, %dma_start3A_16] : memref<10240x128xf32, #tpu.memory_space<vmem_shared>> -> memref<640x128xf32, #tpu.memory_space<vmem_shared>>
      tpu.enqueue_dma source(%dma_start3A_17 : memref<640x128xf32, #tpu.memory_space<vmem_shared>>) target(%dma_start3A_15 : memref<640x128xf32, #tpu.memory_space<hbm>>) target_semaphore(%run_scoped3A : memref<!tpu.dma_semaphore, #tpu.memory_space<semaphore_mem>>)
      %dma_wait3A = arith.constant 0 : i32
      %dma_wait3A_18 = tpu.memref_slice %arg7[%arg0, %mul3A_13, %dma_wait3A] : memref<2x10240x128xf32, #tpu.memory_space<hbm>> -> memref<1x640x128xf32, #tpu.memory_space<hbm>>
      %dma_wait3A_19 = tpu.memref_squeeze %dma_wait3A_18 : memref<1x640x128xf32, #tpu.memory_space<hbm>> -> memref<640x128xf32, #tpu.memory_space<hbm>>
      %dma_wait3A_20 = arith.constant 0 : i32
      %dma_wait3A_21 = tpu.memref_slice %arg15[%mul3A_11, %dma_wait3A_20] : memref<10240x128xf32, #tpu.memory_space<vmem_shared>> -> memref<640x128xf32, #tpu.memory_space<vmem_shared>>
      tpu.wait_dma2 semaphore(%run_scoped3A : memref<!tpu.dma_semaphore, #tpu.memory_space<semaphore_mem>>) src(%dma_wait3A_21 : memref<640x128xf32, #tpu.memory_space<vmem_shared>>) dst(%dma_wait3A_19 : memref<640x128xf32, #tpu.memory_space<hbm>>)
      tpu.yield
    }) : () -> ()
    return
  }
}

#map = affine_map<(d0, d1) -> (0, 0)>
#map1 = affine_map<(d0, d1) -> (0, 0, 0, 0)>
#map2 = affine_map<(d0, d1) -> (0, 0, 0)>
module attributes {stable_mosaic.version = 14 : i64} {
  func.func @_sc_conv_body(%arg0: i32, %arg1: i32, %arg2: memref<10000x128xf32, #tpu.memory_space<hbm>>, %arg3: memref<2x16x80x128xi32, #tpu.memory_space<hbm>>, %arg4: memref<2x16x80x128xi32, #tpu.memory_space<hbm>>, %arg5: memref<2x16x10240xf32, #tpu.memory_space<hbm>>, %arg6: memref<320x128xf32, #tpu.memory_space<hbm>>, %arg7: memref<2x10240x128xf32, #tpu.memory_space<hbm>>, %arg8: memref<80x128xi32, #tpu.memory_space<vmem>>, %arg9: memref<80x128xi32, #tpu.memory_space<vmem>>, %arg10: memref<10240xf32, #tpu.memory_space<vmem>>, %arg11: memref<128x128xf32, #tpu.memory_space<vmem>>, %arg12: memref<128x128xf32, #tpu.memory_space<vmem>>, %arg13: memref<128x128xf32, #tpu.memory_space<vmem>>, %arg14: memref<128x128xf32, #tpu.memory_space<vmem>>, %arg15: memref<10240x128xf32, #tpu.memory_space<vmem_shared>>, %arg16: memref<!tpu.dma_semaphore, #tpu.memory_space<semaphore_mem>>, %arg17: memref<!tpu.dma_semaphore, #tpu.memory_space<semaphore_mem>>, %arg18: memref<!tpu.dma_semaphore, #tpu.memory_space<semaphore_mem>>, %arg19: memref<!tpu.dma_semaphore, #tpu.memory_space<semaphore_mem>>) attributes {dimension_semantics = [#tpu.dimension_semantics<core_parallel>, #tpu.dimension_semantics<subcore_parallel>], iteration_bounds = array<i64: 2, 16>, scalar_prefetch = 0 : i64, scratch_operands = 12 : i64, tpu.core_type = #tpu.core_type<sc_vector_subcore>, window_params = [{transform_indices = #map}, {transform_indices = #map1}, {transform_indices = #map1}, {transform_indices = #map2}, {transform_indices = #map}, {transform_indices = #map2}]} {
    %mul3A = arith.constant 640 : i32
    %mul3A_0 = arith.muli %arg1, %mul3A : i32
    "tpu.region"() ({
      %run_scoped3A = tpu.sem_alloc : memref<!tpu.dma_semaphore, #tpu.memory_space<semaphore_mem>>
      %dma_start3A = arith.constant 0 : i32
      %dma_start3A_14 = tpu.memref_slice %arg15[%mul3A_0, %dma_start3A] : memref<10240x128xf32, #tpu.memory_space<vmem_shared>> -> memref<320x128xf32, #tpu.memory_space<vmem_shared>>
      tpu.enqueue_dma source(%arg6 : memref<320x128xf32, #tpu.memory_space<hbm>>) target(%dma_start3A_14 : memref<320x128xf32, #tpu.memory_space<vmem_shared>>) target_semaphore(%run_scoped3A : memref<!tpu.dma_semaphore, #tpu.memory_space<semaphore_mem>>)
      %dma_wait3A = arith.constant 0 : i32
      %dma_wait3A_15 = tpu.memref_slice %arg15[%mul3A_0, %dma_wait3A] : memref<10240x128xf32, #tpu.memory_space<vmem_shared>> -> memref<320x128xf32, #tpu.memory_space<vmem_shared>>
      tpu.wait_dma2 semaphore(%run_scoped3A : memref<!tpu.dma_semaphore, #tpu.memory_space<semaphore_mem>>) src(%arg6 : memref<320x128xf32, #tpu.memory_space<hbm>>) dst(%dma_wait3A_15 : memref<320x128xf32, #tpu.memory_space<vmem_shared>>)
      tpu.yield
    }) : () -> ()
    %mul3A_1 = arith.constant 640 : i32
    %mul3A_2 = arith.muli %arg1, %mul3A_1 : i32
    %add3A = arith.constant 320 : i32
    %add3A_3 = arith.addi %mul3A_2, %add3A : i32
    "tpu.region"() ({
      %run_scoped3A = tpu.sem_alloc : memref<!tpu.dma_semaphore, #tpu.memory_space<semaphore_mem>>
      %dma_start3A = arith.constant 0 : i32
      %dma_start3A_14 = tpu.memref_slice %arg15[%add3A_3, %dma_start3A] : memref<10240x128xf32, #tpu.memory_space<vmem_shared>> -> memref<320x128xf32, #tpu.memory_space<vmem_shared>>
      tpu.enqueue_dma source(%arg6 : memref<320x128xf32, #tpu.memory_space<hbm>>) target(%dma_start3A_14 : memref<320x128xf32, #tpu.memory_space<vmem_shared>>) target_semaphore(%run_scoped3A : memref<!tpu.dma_semaphore, #tpu.memory_space<semaphore_mem>>)
      %dma_wait3A = arith.constant 0 : i32
      %dma_wait3A_15 = tpu.memref_slice %arg15[%add3A_3, %dma_wait3A] : memref<10240x128xf32, #tpu.memory_space<vmem_shared>> -> memref<320x128xf32, #tpu.memory_space<vmem_shared>>
      tpu.wait_dma2 semaphore(%run_scoped3A : memref<!tpu.dma_semaphore, #tpu.memory_space<semaphore_mem>>) src(%arg6 : memref<320x128xf32, #tpu.memory_space<hbm>>) dst(%dma_wait3A_15 : memref<320x128xf32, #tpu.memory_space<vmem_shared>>)
      tpu.yield
    }) : () -> ()
    "tpu.region"() ({
      %run_scoped3A = tpu.sem_alloc : memref<!tpu.dma_semaphore, #tpu.memory_space<semaphore_mem>>
      %dma_start3A = arith.constant 0 : i32
      %dma_start3A_14 = arith.constant 0 : i32
      %dma_start3A_15 = tpu.memref_slice %arg3[%arg0, %arg1, %dma_start3A, %dma_start3A_14] : memref<2x16x80x128xi32, #tpu.memory_space<hbm>> -> memref<1x1x80x128xi32, #tpu.memory_space<hbm>>
      %dma_start3A_16 = tpu.memref_squeeze %dma_start3A_15 : memref<1x1x80x128xi32, #tpu.memory_space<hbm>> -> memref<80x128xi32, #tpu.memory_space<hbm>>
      %dma_start3A_17 = arith.constant 0 : i32
      %dma_start3A_18 = arith.constant 0 : i32
      %dma_start3A_19 = tpu.memref_slice %arg3[%arg0, %arg1, %dma_start3A_17, %dma_start3A_18] : memref<2x16x80x128xi32, #tpu.memory_space<hbm>> -> memref<1x1x80x128xi32, #tpu.memory_space<hbm>>
      %dma_start3A_20 = tpu.memref_squeeze %dma_start3A_19 : memref<1x1x80x128xi32, #tpu.memory_space<hbm>> -> memref<80x128xi32, #tpu.memory_space<hbm>>
      tpu.enqueue_dma source(%dma_start3A_20 : memref<80x128xi32, #tpu.memory_space<hbm>>) target(%arg8 : memref<80x128xi32, #tpu.memory_space<vmem>>) target_semaphore(%run_scoped3A : memref<!tpu.dma_semaphore, #tpu.memory_space<semaphore_mem>>)
      %dma_wait3A = arith.constant 0 : i32
      %dma_wait3A_21 = arith.constant 0 : i32
      %dma_wait3A_22 = tpu.memref_slice %arg3[%arg0, %arg1, %dma_wait3A, %dma_wait3A_21] : memref<2x16x80x128xi32, #tpu.memory_space<hbm>> -> memref<1x1x80x128xi32, #tpu.memory_space<hbm>>
      %dma_wait3A_23 = tpu.memref_squeeze %dma_wait3A_22 : memref<1x1x80x128xi32, #tpu.memory_space<hbm>> -> memref<80x128xi32, #tpu.memory_space<hbm>>
      %dma_wait3A_24 = arith.constant 0 : i32
      %dma_wait3A_25 = arith.constant 0 : i32
      %dma_wait3A_26 = tpu.memref_slice %arg3[%arg0, %arg1, %dma_wait3A_24, %dma_wait3A_25] : memref<2x16x80x128xi32, #tpu.memory_space<hbm>> -> memref<1x1x80x128xi32, #tpu.memory_space<hbm>>
      %dma_wait3A_27 = tpu.memref_squeeze %dma_wait3A_26 : memref<1x1x80x128xi32, #tpu.memory_space<hbm>> -> memref<80x128xi32, #tpu.memory_space<hbm>>
      tpu.wait_dma2 semaphore(%run_scoped3A : memref<!tpu.dma_semaphore, #tpu.memory_space<semaphore_mem>>) src(%dma_wait3A_27 : memref<80x128xi32, #tpu.memory_space<hbm>>) dst(%arg8 : memref<80x128xi32, #tpu.memory_space<vmem>>)
      tpu.yield
    }) : () -> ()
    "tpu.region"() ({
      %run_scoped3A = tpu.sem_alloc : memref<!tpu.dma_semaphore, #tpu.memory_space<semaphore_mem>>
      %dma_start3A = arith.constant 0 : i32
      %dma_start3A_14 = arith.constant 0 : i32
      %dma_start3A_15 = tpu.memref_slice %arg4[%arg0, %arg1, %dma_start3A, %dma_start3A_14] : memref<2x16x80x128xi32, #tpu.memory_space<hbm>> -> memref<1x1x80x128xi32, #tpu.memory_space<hbm>>
      %dma_start3A_16 = tpu.memref_squeeze %dma_start3A_15 : memref<1x1x80x128xi32, #tpu.memory_space<hbm>> -> memref<80x128xi32, #tpu.memory_space<hbm>>
      %dma_start3A_17 = arith.constant 0 : i32
      %dma_start3A_18 = arith.constant 0 : i32
      %dma_start3A_19 = tpu.memref_slice %arg4[%arg0, %arg1, %dma_start3A_17, %dma_start3A_18] : memref<2x16x80x128xi32, #tpu.memory_space<hbm>> -> memref<1x1x80x128xi32, #tpu.memory_space<hbm>>
      %dma_start3A_20 = tpu.memref_squeeze %dma_start3A_19 : memref<1x1x80x128xi32, #tpu.memory_space<hbm>> -> memref<80x128xi32, #tpu.memory_space<hbm>>
      tpu.enqueue_dma source(%dma_start3A_20 : memref<80x128xi32, #tpu.memory_space<hbm>>) target(%arg9 : memref<80x128xi32, #tpu.memory_space<vmem>>) target_semaphore(%run_scoped3A : memref<!tpu.dma_semaphore, #tpu.memory_space<semaphore_mem>>)
      %dma_wait3A = arith.constant 0 : i32
      %dma_wait3A_21 = arith.constant 0 : i32
      %dma_wait3A_22 = tpu.memref_slice %arg4[%arg0, %arg1, %dma_wait3A, %dma_wait3A_21] : memref<2x16x80x128xi32, #tpu.memory_space<hbm>> -> memref<1x1x80x128xi32, #tpu.memory_space<hbm>>
      %dma_wait3A_23 = tpu.memref_squeeze %dma_wait3A_22 : memref<1x1x80x128xi32, #tpu.memory_space<hbm>> -> memref<80x128xi32, #tpu.memory_space<hbm>>
      %dma_wait3A_24 = arith.constant 0 : i32
      %dma_wait3A_25 = arith.constant 0 : i32
      %dma_wait3A_26 = tpu.memref_slice %arg4[%arg0, %arg1, %dma_wait3A_24, %dma_wait3A_25] : memref<2x16x80x128xi32, #tpu.memory_space<hbm>> -> memref<1x1x80x128xi32, #tpu.memory_space<hbm>>
      %dma_wait3A_27 = tpu.memref_squeeze %dma_wait3A_26 : memref<1x1x80x128xi32, #tpu.memory_space<hbm>> -> memref<80x128xi32, #tpu.memory_space<hbm>>
      tpu.wait_dma2 semaphore(%run_scoped3A : memref<!tpu.dma_semaphore, #tpu.memory_space<semaphore_mem>>) src(%dma_wait3A_27 : memref<80x128xi32, #tpu.memory_space<hbm>>) dst(%arg9 : memref<80x128xi32, #tpu.memory_space<vmem>>)
      tpu.yield
    }) : () -> ()
    "tpu.region"() ({
      %run_scoped3A = tpu.sem_alloc : memref<!tpu.dma_semaphore, #tpu.memory_space<semaphore_mem>>
      %dma_start3A = arith.constant 0 : i32
      %dma_start3A_14 = tpu.memref_slice %arg5[%arg0, %arg1, %dma_start3A] : memref<2x16x10240xf32, #tpu.memory_space<hbm>> -> memref<1x1x10240xf32, #tpu.memory_space<hbm>>
      %dma_start3A_15 = tpu.memref_squeeze %dma_start3A_14 : memref<1x1x10240xf32, #tpu.memory_space<hbm>> -> memref<10240xf32, #tpu.memory_space<hbm>>
      %dma_start3A_16 = arith.constant 0 : i32
      %dma_start3A_17 = tpu.memref_slice %arg5[%arg0, %arg1, %dma_start3A_16] : memref<2x16x10240xf32, #tpu.memory_space<hbm>> -> memref<1x1x10240xf32, #tpu.memory_space<hbm>>
      %dma_start3A_18 = tpu.memref_squeeze %dma_start3A_17 : memref<1x1x10240xf32, #tpu.memory_space<hbm>> -> memref<10240xf32, #tpu.memory_space<hbm>>
      tpu.enqueue_dma source(%dma_start3A_18 : memref<10240xf32, #tpu.memory_space<hbm>>) target(%arg10 : memref<10240xf32, #tpu.memory_space<vmem>>) target_semaphore(%run_scoped3A : memref<!tpu.dma_semaphore, #tpu.memory_space<semaphore_mem>>)
      %dma_wait3A = arith.constant 0 : i32
      %dma_wait3A_19 = tpu.memref_slice %arg5[%arg0, %arg1, %dma_wait3A] : memref<2x16x10240xf32, #tpu.memory_space<hbm>> -> memref<1x1x10240xf32, #tpu.memory_space<hbm>>
      %dma_wait3A_20 = tpu.memref_squeeze %dma_wait3A_19 : memref<1x1x10240xf32, #tpu.memory_space<hbm>> -> memref<10240xf32, #tpu.memory_space<hbm>>
      %dma_wait3A_21 = arith.constant 0 : i32
      %dma_wait3A_22 = tpu.memref_slice %arg5[%arg0, %arg1, %dma_wait3A_21] : memref<2x16x10240xf32, #tpu.memory_space<hbm>> -> memref<1x1x10240xf32, #tpu.memory_space<hbm>>
      %dma_wait3A_23 = tpu.memref_squeeze %dma_wait3A_22 : memref<1x1x10240xf32, #tpu.memory_space<hbm>> -> memref<10240xf32, #tpu.memory_space<hbm>>
      tpu.wait_dma2 semaphore(%run_scoped3A : memref<!tpu.dma_semaphore, #tpu.memory_space<semaphore_mem>>) src(%dma_wait3A_23 : memref<10240xf32, #tpu.memory_space<hbm>>) dst(%arg10 : memref<10240xf32, #tpu.memory_space<vmem>>)
      tpu.yield
    }) : () -> ()
    %barrier3A = arith.constant 0 : index
    tpu.barrier barrier_id(%barrier3A)
    %scan3A = arith.constant 0 : i32
    %scan3A_4 = arith.constant 0 : i32
    %scan3A_5 = arith.constant 80 : i32
    %scan3A_6 = arith.addi %scan3A_4, %scan3A_5 : i32
    %scan3A_7 = arith.constant 1 : i32
    scf.for %scan3A_14 = %scan3A_4 to %scan3A_6 step %scan3A_7  : i32 {
      %dma_start3A = arith.constant 0 : i32
      %dma_start3A_15 = tpu.memref_slice %arg8[%scan3A_14, %dma_start3A] : memref<80x128xi32, #tpu.memory_space<vmem>> -> memref<1x128xi32, #tpu.memory_space<vmem>>
      %dma_start3A_16 = tpu.memref_squeeze %dma_start3A_15 : memref<1x128xi32, #tpu.memory_space<vmem>> -> memref<128xi32, #tpu.memory_space<vmem>>
      %dma_start3A_17 = arith.constant 0 : i32
      %dma_start3A_18 = arith.constant 0 : i32
      %dma_start3A_19 = tpu.memref_slice %arg2[%dma_start3A_17, %dma_start3A_18] : memref<10000x128xf32, #tpu.memory_space<hbm>> -> memref<10000x128xf32, #tpu.memory_space<hbm>>
      tpu.enqueue_indirect_dma source(%dma_start3A_19 : memref<10000x128xf32, #tpu.memory_space<hbm>>) target(%arg11 : memref<128x128xf32, #tpu.memory_space<vmem>>) offsets(%dma_start3A_16 : memref<128xi32, #tpu.memory_space<vmem>>) semaphore(%arg16 : memref<!tpu.dma_semaphore, #tpu.memory_space<semaphore_mem>>)
      %dma_wait3A = arith.constant 0 : i32
      %dma_wait3A_20 = tpu.memref_slice %arg8[%scan3A_14, %dma_wait3A] : memref<80x128xi32, #tpu.memory_space<vmem>> -> memref<1x128xi32, #tpu.memory_space<vmem>>
      %dma_wait3A_21 = tpu.memref_squeeze %dma_wait3A_20 : memref<1x128xi32, #tpu.memory_space<vmem>> -> memref<128xi32, #tpu.memory_space<vmem>>
      %dma_wait3A_22 = arith.constant 0 : i32
      %dma_wait3A_23 = arith.constant 0 : i32
      %dma_wait3A_24 = tpu.memref_slice %arg2[%dma_wait3A_22, %dma_wait3A_23] : memref<10000x128xf32, #tpu.memory_space<hbm>> -> memref<10000x128xf32, #tpu.memory_space<hbm>>
      tpu.wait_indirect_dma semaphore(%arg16 : memref<!tpu.dma_semaphore, #tpu.memory_space<semaphore_mem>>) src(%dma_wait3A_24 : memref<10000x128xf32, #tpu.memory_space<hbm>>) dst(%arg11 : memref<128x128xf32, #tpu.memory_space<vmem>>)
      %scan3A_25 = arith.constant 0 : i32
      %scan3A_26 = arith.constant 0 : i32
      %scan3A_27 = arith.constant 128 : i32
      %scan3A_28 = arith.addi %scan3A_26, %scan3A_27 : i32
      %scan3A_29 = arith.constant 1 : i32
      scf.for %scan3A_31 = %scan3A_26 to %scan3A_28 step %scan3A_29  : i32 {
        %mul3A_32 = arith.constant 128 : i32
        %mul3A_33 = arith.muli %scan3A_14, %mul3A_32 : i32
        %add3A_34 = arith.addi %mul3A_33, %scan3A_31 : i32
        %broadcast_in_dim3A = vector.broadcast %add3A_34 : i32 to vector<16xi32>
        %gather3A = tpu.vector_load_idx %arg10[%broadcast_in_dim3A] : memref<10240xf32, #tpu.memory_space<vmem>>[vector<16xi32>], vector<16xf32>,
        %get3A = arith.index_cast %scan3A_31 : i32 to index
        %get3A_35 = arith.constant 0 : index
        %get3A_36 = tpu.vector_load %arg11[%get3A, %get3A_35] {strides = array<i32>} : memref<128x128xf32, #tpu.memory_space<vmem>>, vector<16xf32>,
        %mul3A_37 = arith.mulf %get3A_36, %gather3A : vector<16xf32>
        %swap3A = arith.index_cast %scan3A_31 : i32 to index
        %swap3A_38 = arith.constant 0 : index
        %swap3A_39 = tpu.vector_load %arg11[%swap3A, %swap3A_38] {strides = array<i32>} : memref<128x128xf32, #tpu.memory_space<vmem>>, vector<16xf32>,
        tpu.vector_store %arg11[%swap3A, %swap3A_38], %mul3A_37 {strides = array<i32>} : memref<128x128xf32, #tpu.memory_space<vmem>>, vector<16xf32>,
        %get3A_40 = arith.index_cast %scan3A_31 : i32 to index
        %get3A_41 = arith.constant 16 : index
        %get3A_42 = tpu.vector_load %arg11[%get3A_40, %get3A_41] {strides = array<i32>} : memref<128x128xf32, #tpu.memory_space<vmem>>, vector<16xf32>,
        %mul3A_43 = arith.mulf %get3A_42, %gather3A : vector<16xf32>
        %swap3A_44 = arith.index_cast %scan3A_31 : i32 to index
        %swap3A_45 = arith.constant 16 : index
        %swap3A_46 = tpu.vector_load %arg11[%swap3A_44, %swap3A_45] {strides = array<i32>} : memref<128x128xf32, #tpu.memory_space<vmem>>, vector<16xf32>,
        tpu.vector_store %arg11[%swap3A_44, %swap3A_45], %mul3A_43 {strides = array<i32>} : memref<128x128xf32, #tpu.memory_space<vmem>>, vector<16xf32>,
        %get3A_47 = arith.index_cast %scan3A_31 : i32 to index
        %get3A_48 = arith.constant 32 : index
        %get3A_49 = tpu.vector_load %arg11[%get3A_47, %get3A_48] {strides = array<i32>} : memref<128x128xf32, #tpu.memory_space<vmem>>, vector<16xf32>,
        %mul3A_50 = arith.mulf %get3A_49, %gather3A : vector<16xf32>
        %swap3A_51 = arith.index_cast %scan3A_31 : i32 to index
        %swap3A_52 = arith.constant 32 : index
        %swap3A_53 = tpu.vector_load %arg11[%swap3A_51, %swap3A_52] {strides = array<i32>} : memref<128x128xf32, #tpu.memory_space<vmem>>, vector<16xf32>,
        tpu.vector_store %arg11[%swap3A_51, %swap3A_52], %mul3A_50 {strides = array<i32>} : memref<128x128xf32, #tpu.memory_space<vmem>>, vector<16xf32>,
        %get3A_54 = arith.index_cast %scan3A_31 : i32 to index
        %get3A_55 = arith.constant 48 : index
        %get3A_56 = tpu.vector_load %arg11[%get3A_54, %get3A_55] {strides = array<i32>} : memref<128x128xf32, #tpu.memory_space<vmem>>, vector<16xf32>,
        %mul3A_57 = arith.mulf %get3A_56, %gather3A : vector<16xf32>
        %swap3A_58 = arith.index_cast %scan3A_31 : i32 to index
        %swap3A_59 = arith.constant 48 : index
        %swap3A_60 = tpu.vector_load %arg11[%swap3A_58, %swap3A_59] {strides = array<i32>} : memref<128x128xf32, #tpu.memory_space<vmem>>, vector<16xf32>,
        tpu.vector_store %arg11[%swap3A_58, %swap3A_59], %mul3A_57 {strides = array<i32>} : memref<128x128xf32, #tpu.memory_space<vmem>>, vector<16xf32>,
        %get3A_61 = arith.index_cast %scan3A_31 : i32 to index
        %get3A_62 = arith.constant 64 : index
        %get3A_63 = tpu.vector_load %arg11[%get3A_61, %get3A_62] {strides = array<i32>} : memref<128x128xf32, #tpu.memory_space<vmem>>, vector<16xf32>,
        %mul3A_64 = arith.mulf %get3A_63, %gather3A : vector<16xf32>
        %swap3A_65 = arith.index_cast %scan3A_31 : i32 to index
        %swap3A_66 = arith.constant 64 : index
        %swap3A_67 = tpu.vector_load %arg11[%swap3A_65, %swap3A_66] {strides = array<i32>} : memref<128x128xf32, #tpu.memory_space<vmem>>, vector<16xf32>,
        tpu.vector_store %arg11[%swap3A_65, %swap3A_66], %mul3A_64 {strides = array<i32>} : memref<128x128xf32, #tpu.memory_space<vmem>>, vector<16xf32>,
        %get3A_68 = arith.index_cast %scan3A_31 : i32 to index
        %get3A_69 = arith.constant 80 : index
        %get3A_70 = tpu.vector_load %arg11[%get3A_68, %get3A_69] {strides = array<i32>} : memref<128x128xf32, #tpu.memory_space<vmem>>, vector<16xf32>,
        %mul3A_71 = arith.mulf %get3A_70, %gather3A : vector<16xf32>
        %swap3A_72 = arith.index_cast %scan3A_31 : i32 to index
        %swap3A_73 = arith.constant 80 : index
        %swap3A_74 = tpu.vector_load %arg11[%swap3A_72, %swap3A_73] {strides = array<i32>} : memref<128x128xf32, #tpu.memory_space<vmem>>, vector<16xf32>,
        tpu.vector_store %arg11[%swap3A_72, %swap3A_73], %mul3A_71 {strides = array<i32>} : memref<128x128xf32, #tpu.memory_space<vmem>>, vector<16xf32>,
        %get3A_75 = arith.index_cast %scan3A_31 : i32 to index
        %get3A_76 = arith.constant 96 : index
        %get3A_77 = tpu.vector_load %arg11[%get3A_75, %get3A_76] {strides = array<i32>} : memref<128x128xf32, #tpu.memory_space<vmem>>, vector<16xf32>,
        %mul3A_78 = arith.mulf %get3A_77, %gather3A : vector<16xf32>
        %swap3A_79 = arith.index_cast %scan3A_31 : i32 to index
        %swap3A_80 = arith.constant 96 : index
        %swap3A_81 = tpu.vector_load %arg11[%swap3A_79, %swap3A_80] {strides = array<i32>} : memref<128x128xf32, #tpu.memory_space<vmem>>, vector<16xf32>,
        tpu.vector_store %arg11[%swap3A_79, %swap3A_80], %mul3A_78 {strides = array<i32>} : memref<128x128xf32, #tpu.memory_space<vmem>>, vector<16xf32>,
        %get3A_82 = arith.index_cast %scan3A_31 : i32 to index
        %get3A_83 = arith.constant 112 : index
        %get3A_84 = tpu.vector_load %arg11[%get3A_82, %get3A_83] {strides = array<i32>} : memref<128x128xf32, #tpu.memory_space<vmem>>, vector<16xf32>,
        %mul3A_85 = arith.mulf %get3A_84, %gather3A : vector<16xf32>
        %swap3A_86 = arith.index_cast %scan3A_31 : i32 to index
        %swap3A_87 = arith.constant 112 : index
        %swap3A_88 = tpu.vector_load %arg11[%swap3A_86, %swap3A_87] {strides = array<i32>} : memref<128x128xf32, #tpu.memory_space<vmem>>, vector<16xf32>,
        tpu.vector_store %arg11[%swap3A_86, %swap3A_87], %mul3A_85 {strides = array<i32>} : memref<128x128xf32, #tpu.memory_space<vmem>>, vector<16xf32>,
      }
      %scan3A_30 = arith.constant 128 : i32
      "tpu.region"() ({
        %run_scoped3A = tpu.sem_alloc : memref<!tpu.dma_semaphore, #tpu.memory_space<semaphore_mem>>
        %dma_start3A_31 = arith.constant 0 : i32
        %dma_start3A_32 = tpu.memref_slice %arg9[%scan3A_14, %dma_start3A_31] : memref<80x128xi32, #tpu.memory_space<vmem>> -> memref<1x128xi32, #tpu.memory_space<vmem>>
        %dma_start3A_33 = tpu.memref_squeeze %dma_start3A_32 : memref<1x128xi32, #tpu.memory_space<vmem>> -> memref<128xi32, #tpu.memory_space<vmem>>
        %dma_start3A_34 = arith.constant 0 : i32
        %dma_start3A_35 = arith.constant 0 : i32
        %dma_start3A_36 = tpu.memref_slice %arg15[%dma_start3A_34, %dma_start3A_35] : memref<10240x128xf32, #tpu.memory_space<vmem_shared>> -> memref<10240x128xf32, #tpu.memory_space<vmem_shared>>
        tpu.enqueue_indirect_dma source(%arg11 : memref<128x128xf32, #tpu.memory_space<vmem>>) target(%dma_start3A_36 : memref<10240x128xf32, #tpu.memory_space<vmem_shared>>) offsets(%dma_start3A_33 : memref<128xi32, #tpu.memory_space<vmem>>) semaphore(%run_scoped3A : memref<!tpu.dma_semaphore, #tpu.memory_space<semaphore_mem>>) {add = true}
        %dma_wait3A_37 = arith.constant 0 : i32
        %dma_wait3A_38 = tpu.memref_slice %arg9[%scan3A_14, %dma_wait3A_37] : memref<80x128xi32, #tpu.memory_space<vmem>> -> memref<1x128xi32, #tpu.memory_space<vmem>>
        %dma_wait3A_39 = tpu.memref_squeeze %dma_wait3A_38 : memref<1x128xi32, #tpu.memory_space<vmem>> -> memref<128xi32, #tpu.memory_space<vmem>>
        %dma_wait3A_40 = arith.constant 0 : i32
        %dma_wait3A_41 = arith.constant 0 : i32
        %dma_wait3A_42 = tpu.memref_slice %arg15[%dma_wait3A_40, %dma_wait3A_41] : memref<10240x128xf32, #tpu.memory_space<vmem_shared>> -> memref<10240x128xf32, #tpu.memory_space<vmem_shared>>
        tpu.wait_indirect_dma semaphore(%run_scoped3A : memref<!tpu.dma_semaphore, #tpu.memory_space<semaphore_mem>>) src(%arg11 : memref<128x128xf32, #tpu.memory_space<vmem>>) dst(%dma_wait3A_42 : memref<10240x128xf32, #tpu.memory_space<vmem_shared>>)
        tpu.yield
      }) : () -> ()
    }
    %scan3A_8 = arith.constant 80 : i32
    %barrier3A_9 = arith.constant 0 : index
    tpu.barrier barrier_id(%barrier3A_9)
    %mul3A_10 = arith.constant 640 : i32
    %mul3A_11 = arith.muli %arg1, %mul3A_10 : i32
    %mul3A_12 = arith.constant 640 : i32
    %mul3A_13 = arith.muli %arg1, %mul3A_12 : i32
    "tpu.region"() ({
      %run_scoped3A = tpu.sem_alloc : memref<!tpu.dma_semaphore, #tpu.memory_space<semaphore_mem>>
      %dma_start3A = arith.constant 0 : i32
      %dma_start3A_14 = tpu.memref_slice %arg7[%arg0, %mul3A_13, %dma_start3A] : memref<2x10240x128xf32, #tpu.memory_space<hbm>> -> memref<1x640x128xf32, #tpu.memory_space<hbm>>
      %dma_start3A_15 = tpu.memref_squeeze %dma_start3A_14 : memref<1x640x128xf32, #tpu.memory_space<hbm>> -> memref<640x128xf32, #tpu.memory_space<hbm>>
      %dma_start3A_16 = arith.constant 0 : i32
      %dma_start3A_17 = tpu.memref_slice %arg15[%mul3A_11, %dma_start3A_16] : memref<10240x128xf32, #tpu.memory_space<vmem_shared>> -> memref<640x128xf32, #tpu.memory_space<vmem_shared>>
      tpu.enqueue_dma source(%dma_start3A_17 : memref<640x128xf32, #tpu.memory_space<vmem_shared>>) target(%dma_start3A_15 : memref<640x128xf32, #tpu.memory_space<hbm>>) target_semaphore(%run_scoped3A : memref<!tpu.dma_semaphore, #tpu.memory_space<semaphore_mem>>)
      %dma_wait3A = arith.constant 0 : i32
      %dma_wait3A_18 = tpu.memref_slice %arg7[%arg0, %mul3A_13, %dma_wait3A] : memref<2x10240x128xf32, #tpu.memory_space<hbm>> -> memref<1x640x128xf32, #tpu.memory_space<hbm>>
      %dma_wait3A_19 = tpu.memref_squeeze %dma_wait3A_18 : memref<1x640x128xf32, #tpu.memory_space<hbm>> -> memref<640x128xf32, #tpu.memory_space<hbm>>
      %dma_wait3A_20 = arith.constant 0 : i32
      %dma_wait3A_21 = tpu.memref_slice %arg15[%mul3A_11, %dma_wait3A_20] : memref<10240x128xf32, #tpu.memory_space<vmem_shared>> -> memref<640x128xf32, #tpu.memory_space<vmem_shared>>
      tpu.wait_dma2 semaphore(%run_scoped3A : memref<!tpu.dma_semaphore, #tpu.memory_space<semaphore_mem>>) src(%dma_wait3A_21 : memref<640x128xf32, #tpu.memory_space<vmem_shared>>) dst(%dma_wait3A_19 : memref<640x128xf32, #tpu.memory_space<hbm>>)
      tpu.yield
    }) : () -> ()
    return
  }
}

#map = affine_map<(d0, d1) -> (0, 0)>
#map1 = affine_map<(d0, d1) -> (0, 0, 0, 0)>
#map2 = affine_map<(d0, d1) -> (0, 0, 0)>
module attributes {stable_mosaic.version = 14 : i64} {
  func.func @_sc_conv_body(%arg0: i32, %arg1: i32, %arg2: memref<10000x128xf32, #tpu.memory_space<hbm>>, %arg3: memref<2x16x80x128xi32, #tpu.memory_space<hbm>>, %arg4: memref<2x16x80x128xi32, #tpu.memory_space<hbm>>, %arg5: memref<2x16x10240xf32, #tpu.memory_space<hbm>>, %arg6: memref<320x128xf32, #tpu.memory_space<hbm>>, %arg7: memref<2x10240x128xf32, #tpu.memory_space<hbm>>, %arg8: memref<80x128xi32, #tpu.memory_space<vmem>>, %arg9: memref<80x128xi32, #tpu.memory_space<vmem>>, %arg10: memref<10240xf32, #tpu.memory_space<vmem>>, %arg11: memref<128x128xf32, #tpu.memory_space<vmem>>, %arg12: memref<128x128xf32, #tpu.memory_space<vmem>>, %arg13: memref<128x128xf32, #tpu.memory_space<vmem>>, %arg14: memref<128x128xf32, #tpu.memory_space<vmem>>, %arg15: memref<10240x128xf32, #tpu.memory_space<vmem_shared>>, %arg16: memref<!tpu.dma_semaphore, #tpu.memory_space<semaphore_mem>>, %arg17: memref<!tpu.dma_semaphore, #tpu.memory_space<semaphore_mem>>, %arg18: memref<!tpu.dma_semaphore, #tpu.memory_space<semaphore_mem>>, %arg19: memref<!tpu.dma_semaphore, #tpu.memory_space<semaphore_mem>>) attributes {dimension_semantics = [#tpu.dimension_semantics<core_parallel>, #tpu.dimension_semantics<subcore_parallel>], iteration_bounds = array<i64: 2, 16>, scalar_prefetch = 0 : i64, scratch_operands = 12 : i64, tpu.core_type = #tpu.core_type<sc_vector_subcore>, window_params = [{transform_indices = #map}, {transform_indices = #map1}, {transform_indices = #map1}, {transform_indices = #map2}, {transform_indices = #map}, {transform_indices = #map2}]} {
    %mul3A = arith.constant 640 : i32
    %mul3A_0 = arith.muli %arg1, %mul3A : i32
    "tpu.region"() ({
      %run_scoped3A = tpu.sem_alloc : memref<!tpu.dma_semaphore, #tpu.memory_space<semaphore_mem>>
      %dma_start3A = arith.constant 0 : i32
      %dma_start3A_14 = tpu.memref_slice %arg15[%mul3A_0, %dma_start3A] : memref<10240x128xf32, #tpu.memory_space<vmem_shared>> -> memref<320x128xf32, #tpu.memory_space<vmem_shared>>
      tpu.enqueue_dma source(%arg6 : memref<320x128xf32, #tpu.memory_space<hbm>>) target(%dma_start3A_14 : memref<320x128xf32, #tpu.memory_space<vmem_shared>>) target_semaphore(%run_scoped3A : memref<!tpu.dma_semaphore, #tpu.memory_space<semaphore_mem>>)
      %dma_wait3A = arith.constant 0 : i32
      %dma_wait3A_15 = tpu.memref_slice %arg15[%mul3A_0, %dma_wait3A] : memref<10240x128xf32, #tpu.memory_space<vmem_shared>> -> memref<320x128xf32, #tpu.memory_space<vmem_shared>>
      tpu.wait_dma2 semaphore(%run_scoped3A : memref<!tpu.dma_semaphore, #tpu.memory_space<semaphore_mem>>) src(%arg6 : memref<320x128xf32, #tpu.memory_space<hbm>>) dst(%dma_wait3A_15 : memref<320x128xf32, #tpu.memory_space<vmem_shared>>)
      tpu.yield
    }) : () -> ()
    %mul3A_1 = arith.constant 640 : i32
    %mul3A_2 = arith.muli %arg1, %mul3A_1 : i32
    %add3A = arith.constant 320 : i32
    %add3A_3 = arith.addi %mul3A_2, %add3A : i32
    "tpu.region"() ({
      %run_scoped3A = tpu.sem_alloc : memref<!tpu.dma_semaphore, #tpu.memory_space<semaphore_mem>>
      %dma_start3A = arith.constant 0 : i32
      %dma_start3A_14 = tpu.memref_slice %arg15[%add3A_3, %dma_start3A] : memref<10240x128xf32, #tpu.memory_space<vmem_shared>> -> memref<320x128xf32, #tpu.memory_space<vmem_shared>>
      tpu.enqueue_dma source(%arg6 : memref<320x128xf32, #tpu.memory_space<hbm>>) target(%dma_start3A_14 : memref<320x128xf32, #tpu.memory_space<vmem_shared>>) target_semaphore(%run_scoped3A : memref<!tpu.dma_semaphore, #tpu.memory_space<semaphore_mem>>)
      %dma_wait3A = arith.constant 0 : i32
      %dma_wait3A_15 = tpu.memref_slice %arg15[%add3A_3, %dma_wait3A] : memref<10240x128xf32, #tpu.memory_space<vmem_shared>> -> memref<320x128xf32, #tpu.memory_space<vmem_shared>>
      tpu.wait_dma2 semaphore(%run_scoped3A : memref<!tpu.dma_semaphore, #tpu.memory_space<semaphore_mem>>) src(%arg6 : memref<320x128xf32, #tpu.memory_space<hbm>>) dst(%dma_wait3A_15 : memref<320x128xf32, #tpu.memory_space<vmem_shared>>)
      tpu.yield
    }) : () -> ()
    "tpu.region"() ({
      %run_scoped3A = tpu.sem_alloc : memref<!tpu.dma_semaphore, #tpu.memory_space<semaphore_mem>>
      %dma_start3A = arith.constant 0 : i32
      %dma_start3A_14 = arith.constant 0 : i32
      %dma_start3A_15 = tpu.memref_slice %arg3[%arg0, %arg1, %dma_start3A, %dma_start3A_14] : memref<2x16x80x128xi32, #tpu.memory_space<hbm>> -> memref<1x1x80x128xi32, #tpu.memory_space<hbm>>
      %dma_start3A_16 = tpu.memref_squeeze %dma_start3A_15 : memref<1x1x80x128xi32, #tpu.memory_space<hbm>> -> memref<80x128xi32, #tpu.memory_space<hbm>>
      %dma_start3A_17 = arith.constant 0 : i32
      %dma_start3A_18 = arith.constant 0 : i32
      %dma_start3A_19 = tpu.memref_slice %arg3[%arg0, %arg1, %dma_start3A_17, %dma_start3A_18] : memref<2x16x80x128xi32, #tpu.memory_space<hbm>> -> memref<1x1x80x128xi32, #tpu.memory_space<hbm>>
      %dma_start3A_20 = tpu.memref_squeeze %dma_start3A_19 : memref<1x1x80x128xi32, #tpu.memory_space<hbm>> -> memref<80x128xi32, #tpu.memory_space<hbm>>
      tpu.enqueue_dma source(%dma_start3A_20 : memref<80x128xi32, #tpu.memory_space<hbm>>) target(%arg8 : memref<80x128xi32, #tpu.memory_space<vmem>>) target_semaphore(%run_scoped3A : memref<!tpu.dma_semaphore, #tpu.memory_space<semaphore_mem>>)
      %dma_wait3A = arith.constant 0 : i32
      %dma_wait3A_21 = arith.constant 0 : i32
      %dma_wait3A_22 = tpu.memref_slice %arg3[%arg0, %arg1, %dma_wait3A, %dma_wait3A_21] : memref<2x16x80x128xi32, #tpu.memory_space<hbm>> -> memref<1x1x80x128xi32, #tpu.memory_space<hbm>>
      %dma_wait3A_23 = tpu.memref_squeeze %dma_wait3A_22 : memref<1x1x80x128xi32, #tpu.memory_space<hbm>> -> memref<80x128xi32, #tpu.memory_space<hbm>>
      %dma_wait3A_24 = arith.constant 0 : i32
      %dma_wait3A_25 = arith.constant 0 : i32
      %dma_wait3A_26 = tpu.memref_slice %arg3[%arg0, %arg1, %dma_wait3A_24, %dma_wait3A_25] : memref<2x16x80x128xi32, #tpu.memory_space<hbm>> -> memref<1x1x80x128xi32, #tpu.memory_space<hbm>>
      %dma_wait3A_27 = tpu.memref_squeeze %dma_wait3A_26 : memref<1x1x80x128xi32, #tpu.memory_space<hbm>> -> memref<80x128xi32, #tpu.memory_space<hbm>>
      tpu.wait_dma2 semaphore(%run_scoped3A : memref<!tpu.dma_semaphore, #tpu.memory_space<semaphore_mem>>) src(%dma_wait3A_27 : memref<80x128xi32, #tpu.memory_space<hbm>>) dst(%arg8 : memref<80x128xi32, #tpu.memory_space<vmem>>)
      tpu.yield
    }) : () -> ()
    "tpu.region"() ({
      %run_scoped3A = tpu.sem_alloc : memref<!tpu.dma_semaphore, #tpu.memory_space<semaphore_mem>>
      %dma_start3A = arith.constant 0 : i32
      %dma_start3A_14 = arith.constant 0 : i32
      %dma_start3A_15 = tpu.memref_slice %arg4[%arg0, %arg1, %dma_start3A, %dma_start3A_14] : memref<2x16x80x128xi32, #tpu.memory_space<hbm>> -> memref<1x1x80x128xi32, #tpu.memory_space<hbm>>
      %dma_start3A_16 = tpu.memref_squeeze %dma_start3A_15 : memref<1x1x80x128xi32, #tpu.memory_space<hbm>> -> memref<80x128xi32, #tpu.memory_space<hbm>>
      %dma_start3A_17 = arith.constant 0 : i32
      %dma_start3A_18 = arith.constant 0 : i32
      %dma_start3A_19 = tpu.memref_slice %arg4[%arg0, %arg1, %dma_start3A_17, %dma_start3A_18] : memref<2x16x80x128xi32, #tpu.memory_space<hbm>> -> memref<1x1x80x128xi32, #tpu.memory_space<hbm>>
      %dma_start3A_20 = tpu.memref_squeeze %dma_start3A_19 : memref<1x1x80x128xi32, #tpu.memory_space<hbm>> -> memref<80x128xi32, #tpu.memory_space<hbm>>
      tpu.enqueue_dma source(%dma_start3A_20 : memref<80x128xi32, #tpu.memory_space<hbm>>) target(%arg9 : memref<80x128xi32, #tpu.memory_space<vmem>>) target_semaphore(%run_scoped3A : memref<!tpu.dma_semaphore, #tpu.memory_space<semaphore_mem>>)
      %dma_wait3A = arith.constant 0 : i32
      %dma_wait3A_21 = arith.constant 0 : i32
      %dma_wait3A_22 = tpu.memref_slice %arg4[%arg0, %arg1, %dma_wait3A, %dma_wait3A_21] : memref<2x16x80x128xi32, #tpu.memory_space<hbm>> -> memref<1x1x80x128xi32, #tpu.memory_space<hbm>>
      %dma_wait3A_23 = tpu.memref_squeeze %dma_wait3A_22 : memref<1x1x80x128xi32, #tpu.memory_space<hbm>> -> memref<80x128xi32, #tpu.memory_space<hbm>>
      %dma_wait3A_24 = arith.constant 0 : i32
      %dma_wait3A_25 = arith.constant 0 : i32
      %dma_wait3A_26 = tpu.memref_slice %arg4[%arg0, %arg1, %dma_wait3A_24, %dma_wait3A_25] : memref<2x16x80x128xi32, #tpu.memory_space<hbm>> -> memref<1x1x80x128xi32, #tpu.memory_space<hbm>>
      %dma_wait3A_27 = tpu.memref_squeeze %dma_wait3A_26 : memref<1x1x80x128xi32, #tpu.memory_space<hbm>> -> memref<80x128xi32, #tpu.memory_space<hbm>>
      tpu.wait_dma2 semaphore(%run_scoped3A : memref<!tpu.dma_semaphore, #tpu.memory_space<semaphore_mem>>) src(%dma_wait3A_27 : memref<80x128xi32, #tpu.memory_space<hbm>>) dst(%arg9 : memref<80x128xi32, #tpu.memory_space<vmem>>)
      tpu.yield
    }) : () -> ()
    "tpu.region"() ({
      %run_scoped3A = tpu.sem_alloc : memref<!tpu.dma_semaphore, #tpu.memory_space<semaphore_mem>>
      %dma_start3A = arith.constant 0 : i32
      %dma_start3A_14 = tpu.memref_slice %arg5[%arg0, %arg1, %dma_start3A] : memref<2x16x10240xf32, #tpu.memory_space<hbm>> -> memref<1x1x10240xf32, #tpu.memory_space<hbm>>
      %dma_start3A_15 = tpu.memref_squeeze %dma_start3A_14 : memref<1x1x10240xf32, #tpu.memory_space<hbm>> -> memref<10240xf32, #tpu.memory_space<hbm>>
      %dma_start3A_16 = arith.constant 0 : i32
      %dma_start3A_17 = tpu.memref_slice %arg5[%arg0, %arg1, %dma_start3A_16] : memref<2x16x10240xf32, #tpu.memory_space<hbm>> -> memref<1x1x10240xf32, #tpu.memory_space<hbm>>
      %dma_start3A_18 = tpu.memref_squeeze %dma_start3A_17 : memref<1x1x10240xf32, #tpu.memory_space<hbm>> -> memref<10240xf32, #tpu.memory_space<hbm>>
      tpu.enqueue_dma source(%dma_start3A_18 : memref<10240xf32, #tpu.memory_space<hbm>>) target(%arg10 : memref<10240xf32, #tpu.memory_space<vmem>>) target_semaphore(%run_scoped3A : memref<!tpu.dma_semaphore, #tpu.memory_space<semaphore_mem>>)
      %dma_wait3A = arith.constant 0 : i32
      %dma_wait3A_19 = tpu.memref_slice %arg5[%arg0, %arg1, %dma_wait3A] : memref<2x16x10240xf32, #tpu.memory_space<hbm>> -> memref<1x1x10240xf32, #tpu.memory_space<hbm>>
      %dma_wait3A_20 = tpu.memref_squeeze %dma_wait3A_19 : memref<1x1x10240xf32, #tpu.memory_space<hbm>> -> memref<10240xf32, #tpu.memory_space<hbm>>
      %dma_wait3A_21 = arith.constant 0 : i32
      %dma_wait3A_22 = tpu.memref_slice %arg5[%arg0, %arg1, %dma_wait3A_21] : memref<2x16x10240xf32, #tpu.memory_space<hbm>> -> memref<1x1x10240xf32, #tpu.memory_space<hbm>>
      %dma_wait3A_23 = tpu.memref_squeeze %dma_wait3A_22 : memref<1x1x10240xf32, #tpu.memory_space<hbm>> -> memref<10240xf32, #tpu.memory_space<hbm>>
      tpu.wait_dma2 semaphore(%run_scoped3A : memref<!tpu.dma_semaphore, #tpu.memory_space<semaphore_mem>>) src(%dma_wait3A_23 : memref<10240xf32, #tpu.memory_space<hbm>>) dst(%arg10 : memref<10240xf32, #tpu.memory_space<vmem>>)
      tpu.yield
    }) : () -> ()
    %barrier3A = arith.constant 0 : index
    tpu.barrier barrier_id(%barrier3A)
    %scan3A = arith.constant 0 : i32
    %scan3A_4 = arith.constant 0 : i32
    %scan3A_5 = arith.constant 80 : i32
    %scan3A_6 = arith.addi %scan3A_4, %scan3A_5 : i32
    %scan3A_7 = arith.constant 1 : i32
    scf.for %scan3A_14 = %scan3A_4 to %scan3A_6 step %scan3A_7  : i32 {
      %dma_start3A = arith.constant 0 : i32
      %dma_start3A_15 = tpu.memref_slice %arg8[%scan3A_14, %dma_start3A] : memref<80x128xi32, #tpu.memory_space<vmem>> -> memref<1x128xi32, #tpu.memory_space<vmem>>
      %dma_start3A_16 = tpu.memref_squeeze %dma_start3A_15 : memref<1x128xi32, #tpu.memory_space<vmem>> -> memref<128xi32, #tpu.memory_space<vmem>>
      %dma_start3A_17 = arith.constant 0 : i32
      %dma_start3A_18 = arith.constant 0 : i32
      %dma_start3A_19 = tpu.memref_slice %arg2[%dma_start3A_17, %dma_start3A_18] : memref<10000x128xf32, #tpu.memory_space<hbm>> -> memref<10000x128xf32, #tpu.memory_space<hbm>>
      tpu.enqueue_indirect_dma source(%dma_start3A_19 : memref<10000x128xf32, #tpu.memory_space<hbm>>) target(%arg11 : memref<128x128xf32, #tpu.memory_space<vmem>>) offsets(%dma_start3A_16 : memref<128xi32, #tpu.memory_space<vmem>>) semaphore(%arg16 : memref<!tpu.dma_semaphore, #tpu.memory_space<semaphore_mem>>)
      %dma_wait3A = arith.constant 0 : i32
      %dma_wait3A_20 = tpu.memref_slice %arg8[%scan3A_14, %dma_wait3A] : memref<80x128xi32, #tpu.memory_space<vmem>> -> memref<1x128xi32, #tpu.memory_space<vmem>>
      %dma_wait3A_21 = tpu.memref_squeeze %dma_wait3A_20 : memref<1x128xi32, #tpu.memory_space<vmem>> -> memref<128xi32, #tpu.memory_space<vmem>>
      %dma_wait3A_22 = arith.constant 0 : i32
      %dma_wait3A_23 = arith.constant 0 : i32
      %dma_wait3A_24 = tpu.memref_slice %arg2[%dma_wait3A_22, %dma_wait3A_23] : memref<10000x128xf32, #tpu.memory_space<hbm>> -> memref<10000x128xf32, #tpu.memory_space<hbm>>
      tpu.wait_indirect_dma semaphore(%arg16 : memref<!tpu.dma_semaphore, #tpu.memory_space<semaphore_mem>>) src(%dma_wait3A_24 : memref<10000x128xf32, #tpu.memory_space<hbm>>) dst(%arg11 : memref<128x128xf32, #tpu.memory_space<vmem>>)
      %scan3A_25 = arith.constant 0 : i32
      %scan3A_26 = arith.constant 0 : i32
      %scan3A_27 = arith.constant 128 : i32
      %scan3A_28 = arith.addi %scan3A_26, %scan3A_27 : i32
      %scan3A_29 = arith.constant 1 : i32
      scf.for %scan3A_31 = %scan3A_26 to %scan3A_28 step %scan3A_29  : i32 {
        %mul3A_32 = arith.constant 128 : i32
        %mul3A_33 = arith.muli %scan3A_14, %mul3A_32 : i32
        %add3A_34 = arith.addi %mul3A_33, %scan3A_31 : i32
        %broadcast_in_dim3A = vector.broadcast %add3A_34 : i32 to vector<16xi32>
        %gather3A = tpu.vector_load_idx %arg10[%broadcast_in_dim3A] : memref<10240xf32, #tpu.memory_space<vmem>>[vector<16xi32>], vector<16xf32>,
        %get3A = arith.index_cast %scan3A_31 : i32 to index
        %get3A_35 = arith.constant 0 : index
        %get3A_36 = tpu.vector_load %arg11[%get3A, %get3A_35] {strides = array<i32>} : memref<128x128xf32, #tpu.memory_space<vmem>>, vector<16xf32>,
        %mul3A_37 = arith.mulf %get3A_36, %gather3A : vector<16xf32>
        %swap3A = arith.index_cast %scan3A_31 : i32 to index
        %swap3A_38 = arith.constant 0 : index
        %swap3A_39 = tpu.vector_load %arg11[%swap3A, %swap3A_38] {strides = array<i32>} : memref<128x128xf32, #tpu.memory_space<vmem>>, vector<16xf32>,
        tpu.vector_store %arg11[%swap3A, %swap3A_38], %mul3A_37 {strides = array<i32>} : memref<128x128xf32, #tpu.memory_space<vmem>>, vector<16xf32>,
        %get3A_40 = arith.index_cast %scan3A_31 : i32 to index
        %get3A_41 = arith.constant 16 : index
        %get3A_42 = tpu.vector_load %arg11[%get3A_40, %get3A_41] {strides = array<i32>} : memref<128x128xf32, #tpu.memory_space<vmem>>, vector<16xf32>,
        %mul3A_43 = arith.mulf %get3A_42, %gather3A : vector<16xf32>
        %swap3A_44 = arith.index_cast %scan3A_31 : i32 to index
        %swap3A_45 = arith.constant 16 : index
        %swap3A_46 = tpu.vector_load %arg11[%swap3A_44, %swap3A_45] {strides = array<i32>} : memref<128x128xf32, #tpu.memory_space<vmem>>, vector<16xf32>,
        tpu.vector_store %arg11[%swap3A_44, %swap3A_45], %mul3A_43 {strides = array<i32>} : memref<128x128xf32, #tpu.memory_space<vmem>>, vector<16xf32>,
        %get3A_47 = arith.index_cast %scan3A_31 : i32 to index
        %get3A_48 = arith.constant 32 : index
        %get3A_49 = tpu.vector_load %arg11[%get3A_47, %get3A_48] {strides = array<i32>} : memref<128x128xf32, #tpu.memory_space<vmem>>, vector<16xf32>,
        %mul3A_50 = arith.mulf %get3A_49, %gather3A : vector<16xf32>
        %swap3A_51 = arith.index_cast %scan3A_31 : i32 to index
        %swap3A_52 = arith.constant 32 : index
        %swap3A_53 = tpu.vector_load %arg11[%swap3A_51, %swap3A_52] {strides = array<i32>} : memref<128x128xf32, #tpu.memory_space<vmem>>, vector<16xf32>,
        tpu.vector_store %arg11[%swap3A_51, %swap3A_52], %mul3A_50 {strides = array<i32>} : memref<128x128xf32, #tpu.memory_space<vmem>>, vector<16xf32>,
        %get3A_54 = arith.index_cast %scan3A_31 : i32 to index
        %get3A_55 = arith.constant 48 : index
        %get3A_56 = tpu.vector_load %arg11[%get3A_54, %get3A_55] {strides = array<i32>} : memref<128x128xf32, #tpu.memory_space<vmem>>, vector<16xf32>,
        %mul3A_57 = arith.mulf %get3A_56, %gather3A : vector<16xf32>
        %swap3A_58 = arith.index_cast %scan3A_31 : i32 to index
        %swap3A_59 = arith.constant 48 : index
        %swap3A_60 = tpu.vector_load %arg11[%swap3A_58, %swap3A_59] {strides = array<i32>} : memref<128x128xf32, #tpu.memory_space<vmem>>, vector<16xf32>,
        tpu.vector_store %arg11[%swap3A_58, %swap3A_59], %mul3A_57 {strides = array<i32>} : memref<128x128xf32, #tpu.memory_space<vmem>>, vector<16xf32>,
        %get3A_61 = arith.index_cast %scan3A_31 : i32 to index
        %get3A_62 = arith.constant 64 : index
        %get3A_63 = tpu.vector_load %arg11[%get3A_61, %get3A_62] {strides = array<i32>} : memref<128x128xf32, #tpu.memory_space<vmem>>, vector<16xf32>,
        %mul3A_64 = arith.mulf %get3A_63, %gather3A : vector<16xf32>
        %swap3A_65 = arith.index_cast %scan3A_31 : i32 to index
        %swap3A_66 = arith.constant 64 : index
        %swap3A_67 = tpu.vector_load %arg11[%swap3A_65, %swap3A_66] {strides = array<i32>} : memref<128x128xf32, #tpu.memory_space<vmem>>, vector<16xf32>,
        tpu.vector_store %arg11[%swap3A_65, %swap3A_66], %mul3A_64 {strides = array<i32>} : memref<128x128xf32, #tpu.memory_space<vmem>>, vector<16xf32>,
        %get3A_68 = arith.index_cast %scan3A_31 : i32 to index
        %get3A_69 = arith.constant 80 : index
        %get3A_70 = tpu.vector_load %arg11[%get3A_68, %get3A_69] {strides = array<i32>} : memref<128x128xf32, #tpu.memory_space<vmem>>, vector<16xf32>,
        %mul3A_71 = arith.mulf %get3A_70, %gather3A : vector<16xf32>
        %swap3A_72 = arith.index_cast %scan3A_31 : i32 to index
        %swap3A_73 = arith.constant 80 : index
        %swap3A_74 = tpu.vector_load %arg11[%swap3A_72, %swap3A_73] {strides = array<i32>} : memref<128x128xf32, #tpu.memory_space<vmem>>, vector<16xf32>,
        tpu.vector_store %arg11[%swap3A_72, %swap3A_73], %mul3A_71 {strides = array<i32>} : memref<128x128xf32, #tpu.memory_space<vmem>>, vector<16xf32>,
        %get3A_75 = arith.index_cast %scan3A_31 : i32 to index
        %get3A_76 = arith.constant 96 : index
        %get3A_77 = tpu.vector_load %arg11[%get3A_75, %get3A_76] {strides = array<i32>} : memref<128x128xf32, #tpu.memory_space<vmem>>, vector<16xf32>,
        %mul3A_78 = arith.mulf %get3A_77, %gather3A : vector<16xf32>
        %swap3A_79 = arith.index_cast %scan3A_31 : i32 to index
        %swap3A_80 = arith.constant 96 : index
        %swap3A_81 = tpu.vector_load %arg11[%swap3A_79, %swap3A_80] {strides = array<i32>} : memref<128x128xf32, #tpu.memory_space<vmem>>, vector<16xf32>,
        tpu.vector_store %arg11[%swap3A_79, %swap3A_80], %mul3A_78 {strides = array<i32>} : memref<128x128xf32, #tpu.memory_space<vmem>>, vector<16xf32>,
        %get3A_82 = arith.index_cast %scan3A_31 : i32 to index
        %get3A_83 = arith.constant 112 : index
        %get3A_84 = tpu.vector_load %arg11[%get3A_82, %get3A_83] {strides = array<i32>} : memref<128x128xf32, #tpu.memory_space<vmem>>, vector<16xf32>,
        %mul3A_85 = arith.mulf %get3A_84, %gather3A : vector<16xf32>
        %swap3A_86 = arith.index_cast %scan3A_31 : i32 to index
        %swap3A_87 = arith.constant 112 : index
        %swap3A_88 = tpu.vector_load %arg11[%swap3A_86, %swap3A_87] {strides = array<i32>} : memref<128x128xf32, #tpu.memory_space<vmem>>, vector<16xf32>,
        tpu.vector_store %arg11[%swap3A_86, %swap3A_87], %mul3A_85 {strides = array<i32>} : memref<128x128xf32, #tpu.memory_space<vmem>>, vector<16xf32>,
      }
      %scan3A_30 = arith.constant 128 : i32
      "tpu.region"() ({
        %run_scoped3A = tpu.sem_alloc : memref<!tpu.dma_semaphore, #tpu.memory_space<semaphore_mem>>
        %dma_start3A_31 = arith.constant 0 : i32
        %dma_start3A_32 = tpu.memref_slice %arg9[%scan3A_14, %dma_start3A_31] : memref<80x128xi32, #tpu.memory_space<vmem>> -> memref<1x128xi32, #tpu.memory_space<vmem>>
        %dma_start3A_33 = tpu.memref_squeeze %dma_start3A_32 : memref<1x128xi32, #tpu.memory_space<vmem>> -> memref<128xi32, #tpu.memory_space<vmem>>
        %dma_start3A_34 = arith.constant 0 : i32
        %dma_start3A_35 = arith.constant 0 : i32
        %dma_start3A_36 = tpu.memref_slice %arg15[%dma_start3A_34, %dma_start3A_35] : memref<10240x128xf32, #tpu.memory_space<vmem_shared>> -> memref<10240x128xf32, #tpu.memory_space<vmem_shared>>
        tpu.enqueue_indirect_dma source(%arg11 : memref<128x128xf32, #tpu.memory_space<vmem>>) target(%dma_start3A_36 : memref<10240x128xf32, #tpu.memory_space<vmem_shared>>) offsets(%dma_start3A_33 : memref<128xi32, #tpu.memory_space<vmem>>) semaphore(%run_scoped3A : memref<!tpu.dma_semaphore, #tpu.memory_space<semaphore_mem>>) {add = true}
        %dma_wait3A_37 = arith.constant 0 : i32
        %dma_wait3A_38 = tpu.memref_slice %arg9[%scan3A_14, %dma_wait3A_37] : memref<80x128xi32, #tpu.memory_space<vmem>> -> memref<1x128xi32, #tpu.memory_space<vmem>>
        %dma_wait3A_39 = tpu.memref_squeeze %dma_wait3A_38 : memref<1x128xi32, #tpu.memory_space<vmem>> -> memref<128xi32, #tpu.memory_space<vmem>>
        %dma_wait3A_40 = arith.constant 0 : i32
        %dma_wait3A_41 = arith.constant 0 : i32
        %dma_wait3A_42 = tpu.memref_slice %arg15[%dma_wait3A_40, %dma_wait3A_41] : memref<10240x128xf32, #tpu.memory_space<vmem_shared>> -> memref<10240x128xf32, #tpu.memory_space<vmem_shared>>
        tpu.wait_indirect_dma semaphore(%run_scoped3A : memref<!tpu.dma_semaphore, #tpu.memory_space<semaphore_mem>>) src(%arg11 : memref<128x128xf32, #tpu.memory_space<vmem>>) dst(%dma_wait3A_42 : memref<10240x128xf32, #tpu.memory_space<vmem_shared>>)
        tpu.yield
      }) : () -> ()
    }
    %scan3A_8 = arith.constant 80 : i32
    %barrier3A_9 = arith.constant 0 : index
    tpu.barrier barrier_id(%barrier3A_9)
    %mul3A_10 = arith.constant 640 : i32
    %mul3A_11 = arith.muli %arg1, %mul3A_10 : i32
    %mul3A_12 = arith.constant 640 : i32
    %mul3A_13 = arith.muli %arg1, %mul3A_12 : i32
    "tpu.region"() ({
      %run_scoped3A = tpu.sem_alloc : memref<!tpu.dma_semaphore, #tpu.memory_space<semaphore_mem>>
      %dma_start3A = arith.constant 0 : i32
      %dma_start3A_14 = tpu.memref_slice %arg7[%arg0, %mul3A_13, %dma_start3A] : memref<2x10240x128xf32, #tpu.memory_space<hbm>> -> memref<1x640x128xf32, #tpu.memory_space<hbm>>
      %dma_start3A_15 = tpu.memref_squeeze %dma_start3A_14 : memref<1x640x128xf32, #tpu.memory_space<hbm>> -> memref<640x128xf32, #tpu.memory_space<hbm>>
      %dma_start3A_16 = arith.constant 0 : i32
      %dma_start3A_17 = tpu.memref_slice %arg15[%mul3A_11, %dma_start3A_16] : memref<10240x128xf32, #tpu.memory_space<vmem_shared>> -> memref<640x128xf32, #tpu.memory_space<vmem_shared>>
      tpu.enqueue_dma source(%dma_start3A_17 : memref<640x128xf32, #tpu.memory_space<vmem_shared>>) target(%dma_start3A_15 : memref<640x128xf32, #tpu.memory_space<hbm>>) target_semaphore(%run_scoped3A : memref<!tpu.dma_semaphore, #tpu.memory_space<semaphore_mem>>)
      %dma_wait3A = arith.constant 0 : i32
      %dma_wait3A_18 = tpu.memref_slice %arg7[%arg0, %mul3A_13, %dma_wait3A] : memref<2x10240x128xf32, #tpu.memory_space<hbm>> -> memref<1x640x128xf32, #tpu.memory_space<hbm>>
      %dma_wait3A_19 = tpu.memref_squeeze %dma_wait3A_18 : memref<1x640x128xf32, #tpu.memory_space<hbm>> -> memref<640x128xf32, #tpu.memory_space<hbm>>
      %dma_wait3A_20 = arith.constant 0 : i32
      %dma_wait3A_21 = tpu.memref_slice %arg15[%mul3A_11, %dma_wait3A_20] : memref<10240x128xf32, #tpu.memory_space<vmem_shared>> -> memref<640x128xf32, #tpu.memory_space<vmem_shared>>
      tpu.wait_dma2 semaphore(%run_scoped3A : memref<!tpu.dma_semaphore, #tpu.memory_space<semaphore_mem>>) src(%dma_wait3A_21 : memref<640x128xf32, #tpu.memory_space<vmem_shared>>) dst(%dma_wait3A_19 : memref<640x128xf32, #tpu.memory_space<hbm>>)
      tpu.yield
    }) : () -> ()
    return
  }
}

module attributes {stable_mosaic.version = 14 : i64} {
  func.func @_stage0_body(%arg0: i32, %arg1: memref<1000x128xf32, #tpu.memory_space<vmem>>, %arg2: memref<1000x128xf32, #tpu.memory_space<vmem>>, %arg3: memref<1000x1xf32, #tpu.memory_space<vmem>>, %arg4: memref<128x128xf32, #tpu.memory_space<vmem>>, %arg5: memref<1x128xf32, #tpu.memory_space<vmem>>, %arg6: memref<384x128xf32, #tpu.memory_space<vmem>>, %arg7: memref<384x128xf32, #tpu.memory_space<vmem>>, %arg8: memref<1x384xf32, #tpu.memory_space<vmem>>, %arg9: memref<1x384xf32, #tpu.memory_space<vmem>>, %arg10: memref<128x128xf32, #tpu.memory_space<vmem>>, %arg11: memref<1000x128xf32, #tpu.memory_space<vmem>>, %arg12: memref<1000x128xf32, #tpu.memory_space<vmem>>) attributes {dimension_semantics = [#tpu.dimension_semantics<arbitrary>], iteration_bounds = array<i64: 10>, scalar_prefetch = 0 : i64, scratch_operands = 0 : i64, tpu.core_type = #tpu.core_type<tc>, window_params = [{transform_indices = @transform_0, window_bounds = array<i64: 1000, 128>}, {transform_indices = @transform_1, window_bounds = array<i64: 1000, 128>}, {transform_indices = @transform_2, window_bounds = array<i64: 1000, 1>}, {pipeline_mode = #tpu.pipeline_mode<synchronous>, transform_indices = @transform_3, window_bounds = array<i64: 128, 128>}, {pipeline_mode = #tpu.pipeline_mode<synchronous>, transform_indices = @transform_4, window_bounds = array<i64: 1, 128>}, {pipeline_mode = #tpu.pipeline_mode<synchronous>, transform_indices = @transform_5, window_bounds = array<i64: 384, 128>}, {pipeline_mode = #tpu.pipeline_mode<synchronous>, transform_indices = @transform_6, window_bounds = array<i64: 384, 128>}, {pipeline_mode = #tpu.pipeline_mode<synchronous>, transform_indices = @transform_7, window_bounds = array<i64: 1, 384>}, {pipeline_mode = #tpu.pipeline_mode<synchronous>, transform_indices = @transform_8, window_bounds = array<i64: 1, 384>}, {pipeline_mode = #tpu.pipeline_mode<synchronous>, transform_indices = @transform_9, window_bounds = array<i64: 128, 128>}, {transform_indices = @transform_10, window_bounds = array<i64: 1000, 128>}, {transform_indices = @transform_11, window_bounds = array<i64: 1000, 128>}]} {
    %get3A = arith.constant 0 : index
    %get3A_0 = arith.constant 0 : index
    %get3A_1 = vector.load %arg1[%get3A, %get3A_0] : memref<1000x128xf32, #tpu.memory_space<vmem>>, vector<1000x128xf32>
    %get3A_2 = arith.constant 0 : index
    %get3A_3 = arith.constant 0 : index
    %get3A_4 = vector.load %arg4[%get3A_2, %get3A_3] : memref<128x128xf32, #tpu.memory_space<vmem>>, vector<128x128xf32>
    %dot_general3A = arith.constant dense<0.000000e+00> : vector<1000x128xf32>
    %dot_general3A_5 = tpu.matmul %get3A_1, %get3A_4, %dot_general3A {dimension_numbers = #tpu.dot_dimension_numbers<[1], [1], [0], [0], [0, 0, 1, 0], [], []>, transpose_lhs_hint = false} : vector<1000x128xf32>, vector<128x128xf32>, vector<1000x128xf32> -> vector<1000x128xf32>
    %get3A_6 = arith.constant 0 : index
    %get3A_7 = arith.constant 0 : index
    %get3A_8 = vector.load %arg5[%get3A_6, %get3A_7] : memref<1x128xf32, #tpu.memory_space<vmem>>, vector<1x128xf32>
    %add3A = vector.broadcast %get3A_8 : vector<1x128xf32> to vector<1000x128xf32>
    %add3A_9 = arith.addf %dot_general3A_5, %add3A : vector<1000x128xf32>
    %max3A = arith.constant 0.000000e+00 : f32
    %max3A_10 = vector.broadcast %max3A : f32 to vector<1000x128xf32>
    %max3A_11 = arith.maximumf %add3A_9, %max3A_10 : vector<1000x128xf32>
    %get3A_12 = arith.constant 0 : index
    %get3A_13 = arith.constant 0 : index
    %get3A_14 = vector.load %arg2[%get3A_12, %get3A_13] : memref<1000x128xf32, #tpu.memory_space<vmem>>, vector<1000x128xf32>
    %get3A_15 = arith.constant 0 : index
    %get3A_16 = arith.constant 0 : index
    %get3A_17 = vector.load %arg6[%get3A_15, %get3A_16] : memref<384x128xf32, #tpu.memory_space<vmem>>, vector<384x128xf32>
    %get3A_18 = arith.constant 0 : index
    %get3A_19 = arith.constant 0 : index
    %get3A_20 = vector.load %arg7[%get3A_18, %get3A_19] : memref<384x128xf32, #tpu.memory_space<vmem>>, vector<384x128xf32>
    %get3A_21 = arith.constant 0 : index
    %get3A_22 = arith.constant 0 : index
    %get3A_23 = vector.load %arg8[%get3A_21, %get3A_22] : memref<1x384xf32, #tpu.memory_space<vmem>>, vector<1x384xf32>
    %get3A_24 = arith.constant 0 : index
    %get3A_25 = arith.constant 0 : index
    %get3A_26 = vector.load %arg9[%get3A_24, %get3A_25] : memref<1x384xf32, #tpu.memory_space<vmem>>, vector<1x384xf32>
    %dot_general3A_27 = arith.constant dense<0.000000e+00> : vector<1000x384xf32>
    %dot_general3A_28 = tpu.matmul %max3A_11, %get3A_17, %dot_general3A_27 {dimension_numbers = #tpu.dot_dimension_numbers<[1], [1], [0], [0], [0, 0, 1, 0], [], []>, transpose_lhs_hint = false} : vector<1000x128xf32>, vector<384x128xf32>, vector<1000x384xf32> -> vector<1000x384xf32>
    %add3A_29 = vector.broadcast %get3A_23 : vector<1x384xf32> to vector<1000x384xf32>
    %add3A_30 = arith.addf %dot_general3A_28, %add3A_29 : vector<1000x384xf32>
    %dot_general3A_31 = arith.constant dense<0.000000e+00> : vector<1000x384xf32>
    %dot_general3A_32 = tpu.matmul %get3A_14, %get3A_20, %dot_general3A_31 {dimension_numbers = #tpu.dot_dimension_numbers<[1], [1], [0], [0], [0, 0, 1, 0], [], []>, transpose_lhs_hint = false} : vector<1000x128xf32>, vector<384x128xf32>, vector<1000x384xf32> -> vector<1000x384xf32>
    %add3A_33 = vector.broadcast %get3A_26 : vector<1x384xf32> to vector<1000x384xf32>
    %add3A_34 = arith.addf %dot_general3A_32, %add3A_33 : vector<1000x384xf32>
    %slice3A = vector.extract_strided_slice %add3A_30 {offsets = [0, 0], sizes = [1000, 128], strides = [1, 1]} : vector<1000x384xf32> to vector<1000x128xf32>
    %slice3A_35 = vector.extract_strided_slice %add3A_30 {offsets = [0, 128], sizes = [1000, 128], strides = [1, 1]} : vector<1000x384xf32> to vector<1000x128xf32>
    %slice3A_36 = vector.extract_strided_slice %add3A_30 {offsets = [0, 256], sizes = [1000, 128], strides = [1, 1]} : vector<1000x384xf32> to vector<1000x128xf32>
    %slice3A_37 = vector.extract_strided_slice %add3A_34 {offsets = [0, 0], sizes = [1000, 128], strides = [1, 1]} : vector<1000x384xf32> to vector<1000x128xf32>
    %slice3A_38 = vector.extract_strided_slice %add3A_34 {offsets = [0, 128], sizes = [1000, 128], strides = [1, 1]} : vector<1000x384xf32> to vector<1000x128xf32>
    %slice3A_39 = vector.extract_strided_slice %add3A_34 {offsets = [0, 256], sizes = [1000, 128], strides = [1, 1]} : vector<1000x384xf32> to vector<1000x128xf32>
    %add3A_40 = arith.addf %slice3A, %slice3A_37 : vector<1000x128xf32>
    %logistic3A = arith.negf %add3A_40 : vector<1000x128xf32>
    %logistic3A_41 = math.exp %logistic3A : vector<1000x128xf32>
    %logistic3A_42 = arith.constant 1.000000e+00 : f32
    %logistic3A_43 = vector.broadcast %logistic3A_42 : f32 to vector<1000x128xf32>
    %logistic3A_44 = arith.addf %logistic3A_43, %logistic3A_41 : vector<1000x128xf32>
    %logistic3A_45 = arith.divf %logistic3A_43, %logistic3A_44 : vector<1000x128xf32>
    %add3A_46 = arith.addf %slice3A_35, %slice3A_38 : vector<1000x128xf32>
    %logistic3A_47 = arith.negf %add3A_46 : vector<1000x128xf32>
    %logistic3A_48 = math.exp %logistic3A_47 : vector<1000x128xf32>
    %logistic3A_49 = arith.constant 1.000000e+00 : f32
    %logistic3A_50 = vector.broadcast %logistic3A_49 : f32 to vector<1000x128xf32>
    %logistic3A_51 = arith.addf %logistic3A_50, %logistic3A_48 : vector<1000x128xf32>
    %logistic3A_52 = arith.divf %logistic3A_50, %logistic3A_51 : vector<1000x128xf32>
    %mul3A = arith.mulf %logistic3A_45, %slice3A_39 : vector<1000x128xf32>
    %add3A_53 = arith.addf %slice3A_36, %mul3A : vector<1000x128xf32>
    %tanh3A = math.tanh %add3A_53 : vector<1000x128xf32>
    %sub3A = arith.constant 1.000000e+00 : f32
    %sub3A_54 = vector.broadcast %sub3A : f32 to vector<1000x128xf32>
    %sub3A_55 = arith.subf %sub3A_54, %logistic3A_52 : vector<1000x128xf32>
    %mul3A_56 = arith.mulf %sub3A_55, %tanh3A : vector<1000x128xf32>
    %mul3A_57 = arith.mulf %logistic3A_52, %get3A_14 : vector<1000x128xf32>
    %add3A_58 = arith.addf %mul3A_56, %mul3A_57 : vector<1000x128xf32>
    %swap3A = arith.constant 0 : index
    %swap3A_59 = arith.constant 0 : index
    %swap3A_60 = vector.load %arg11[%swap3A, %swap3A_59] : memref<1000x128xf32, #tpu.memory_space<vmem>>, vector<1000x128xf32>
    tpu.vector_store %arg11[%swap3A, %swap3A_59], %add3A_58 {strides = array<i32>} : memref<1000x128xf32, #tpu.memory_space<vmem>>, vector<1000x128xf32>,
    %get3A_61 = arith.constant 0 : index
    %get3A_62 = arith.constant 0 : index
    %get3A_63 = vector.load %arg3[%get3A_61, %get3A_62] : memref<1000x1xf32, #tpu.memory_space<vmem>>, vector<1000x1xf32>
    %get3A_64 = arith.constant 0 : index
    %get3A_65 = arith.constant 0 : index
    %get3A_66 = vector.load %arg10[%get3A_64, %get3A_65] : memref<128x128xf32, #tpu.memory_space<vmem>>, vector<128x128xf32>
    %dot_general3A_67 = arith.constant dense<0.000000e+00> : vector<1000x128xf32>
    %dot_general3A_68 = tpu.matmul %max3A_11, %get3A_66, %dot_general3A_67 {dimension_numbers = #tpu.dot_dimension_numbers<[1], [1], [0], [0], [0, 0, 1, 0], [], []>, transpose_lhs_hint = false} : vector<1000x128xf32>, vector<128x128xf32>, vector<1000x128xf32> -> vector<1000x128xf32>
    %mul3A_69 = vector.broadcast %get3A_63 : vector<1000x1xf32> to vector<1000x128xf32>
    %mul3A_70 = arith.mulf %mul3A_69, %dot_general3A_68 : vector<1000x128xf32>
    %swap3A_71 = arith.constant 0 : index
    %swap3A_72 = arith.constant 0 : index
    %swap3A_73 = vector.load %arg12[%swap3A_71, %swap3A_72] : memref<1000x128xf32, #tpu.memory_space<vmem>>, vector<1000x128xf32>
    tpu.vector_store %arg12[%swap3A_71, %swap3A_72], %mul3A_70 {strides = array<i32>} : memref<1000x128xf32, #tpu.memory_space<vmem>>, vector<1000x128xf32>,
    return
  }
  func.func @transform_0(%arg0: i32) -> (i32, i32) {
    %c0_i32 = arith.constant 0 : i32
    %c0_i32_0 = arith.constant 0 : i32
    return %arg0, %c0_i32 : i32, i32
  }
  func.func @transform_1(%arg0: i32) -> (i32, i32) {
    %c0_i32 = arith.constant 0 : i32
    %c0_i32_0 = arith.constant 0 : i32
    return %arg0, %c0_i32 : i32, i32
  }
  func.func @transform_2(%arg0: i32) -> (i32, i32) {
    %c0_i32 = arith.constant 0 : i32
    %c0_i32_0 = arith.constant 0 : i32
    return %arg0, %c0_i32 : i32, i32
  }
  func.func @transform_3(%arg0: i32) -> (i32, i32) {
    %c0_i32 = arith.constant 0 : i32
    %c0_i32_0 = arith.constant 0 : i32
    %c0_i32_1 = arith.constant 0 : i32
    return %c0_i32, %c0_i32_0 : i32, i32
  }
  func.func @transform_4(%arg0: i32) -> (i32, i32) {
    %c0_i32 = arith.constant 0 : i32
    %c0_i32_0 = arith.constant 0 : i32
    %c0_i32_1 = arith.constant 0 : i32
    return %c0_i32, %c0_i32_0 : i32, i32
  }
  func.func @transform_5(%arg0: i32) -> (i32, i32) {
    %c0_i32 = arith.constant 0 : i32
    %c0_i32_0 = arith.constant 0 : i32
    %c0_i32_1 = arith.constant 0 : i32
    return %c0_i32, %c0_i32_0 : i32, i32
  }
  func.func @transform_6(%arg0: i32) -> (i32, i32) {
    %c0_i32 = arith.constant 0 : i32
    %c0_i32_0 = arith.constant 0 : i32
    %c0_i32_1 = arith.constant 0 : i32
    return %c0_i32, %c0_i32_0 : i32, i32
  }
  func.func @transform_7(%arg0: i32) -> (i32, i32) {
    %c0_i32 = arith.constant 0 : i32
    %c0_i32_0 = arith.constant 0 : i32
    %c0_i32_1 = arith.constant 0 : i32
    return %c0_i32, %c0_i32_0 : i32, i32
  }
  func.func @transform_8(%arg0: i32) -> (i32, i32) {
    %c0_i32 = arith.constant 0 : i32
    %c0_i32_0 = arith.constant 0 : i32
    %c0_i32_1 = arith.constant 0 : i32
    return %c0_i32, %c0_i32_0 : i32, i32
  }
  func.func @transform_9(%arg0: i32) -> (i32, i32) {
    %c0_i32 = arith.constant 0 : i32
    %c0_i32_0 = arith.constant 0 : i32
    %c0_i32_1 = arith.constant 0 : i32
    return %c0_i32, %c0_i32_0 : i32, i32
  }
  func.func @transform_10(%arg0: i32) -> (i32, i32) {
    %c0_i32 = arith.constant 0 : i32
    %c0_i32_0 = arith.constant 0 : i32
    return %arg0, %c0_i32 : i32, i32
  }
  func.func @transform_11(%arg0: i32) -> (i32, i32) {
    %c0_i32 = arith.constant 0 : i32
    %c0_i32_0 = arith.constant 0 : i32
    return %arg0, %c0_i32 : i32, i32
  }
}

module attributes {stable_mosaic.version = 14 : i64} {
  func.func @_stage_mid_body(%arg0: i32, %arg1: memref<2x1000x128xf32, #tpu.memory_space<vmem>>, %arg2: memref<1000x128xf32, #tpu.memory_space<vmem>>, %arg3: memref<1000x1xf32, #tpu.memory_space<vmem>>, %arg4: memref<1x128xf32, #tpu.memory_space<vmem>>, %arg5: memref<1000x128xf32, #tpu.memory_space<vmem>>, %arg6: memref<384x128xf32, #tpu.memory_space<vmem>>, %arg7: memref<384x128xf32, #tpu.memory_space<vmem>>, %arg8: memref<1x384xf32, #tpu.memory_space<vmem>>, %arg9: memref<1x384xf32, #tpu.memory_space<vmem>>, %arg10: memref<128x128xf32, #tpu.memory_space<vmem>>, %arg11: memref<1000x128xf32, #tpu.memory_space<vmem>>, %arg12: memref<1000x128xf32, #tpu.memory_space<vmem>>) attributes {dimension_semantics = [#tpu.dimension_semantics<arbitrary>], iteration_bounds = array<i64: 10>, scalar_prefetch = 0 : i64, scratch_operands = 0 : i64, tpu.core_type = #tpu.core_type<tc>, window_params = [{transform_indices = @transform_0, window_bounds = array<i64: 2, 1000, 128>}, {transform_indices = @transform_1, window_bounds = array<i64: 1000, 128>}, {transform_indices = @transform_2, window_bounds = array<i64: 1000, 1>}, {pipeline_mode = #tpu.pipeline_mode<synchronous>, transform_indices = @transform_3, window_bounds = array<i64: 1, 128>}, {transform_indices = @transform_4, window_bounds = array<i64: 1000, 128>}, {pipeline_mode = #tpu.pipeline_mode<synchronous>, transform_indices = @transform_5, window_bounds = array<i64: 384, 128>}, {pipeline_mode = #tpu.pipeline_mode<synchronous>, transform_indices = @transform_6, window_bounds = array<i64: 384, 128>}, {pipeline_mode = #tpu.pipeline_mode<synchronous>, transform_indices = @transform_7, window_bounds = array<i64: 1, 384>}, {pipeline_mode = #tpu.pipeline_mode<synchronous>, transform_indices = @transform_8, window_bounds = array<i64: 1, 384>}, {pipeline_mode = #tpu.pipeline_mode<synchronous>, transform_indices = @transform_9, window_bounds = array<i64: 128, 128>}, {transform_indices = @transform_10, window_bounds = array<i64: 1000, 128>}, {transform_indices = @transform_11, window_bounds = array<i64: 1000, 128>}]} {
    %get3A = arith.constant 0 : index
    %get3A_0 = arith.constant 0 : index
    %get3A_1 = arith.constant 0 : index
    %get3A_2 = vector.load %arg1[%get3A, %get3A_0, %get3A_1] : memref<2x1000x128xf32, #tpu.memory_space<vmem>>, vector<1x1000x128xf32>
    %get3A_3 = vector.shape_cast %get3A_2 : vector<1x1000x128xf32> to vector<1000x128xf32>
    %get3A_4 = arith.constant 1 : index
    %get3A_5 = arith.constant 0 : index
    %get3A_6 = arith.constant 0 : index
    %get3A_7 = vector.load %arg1[%get3A_4, %get3A_5, %get3A_6] : memref<2x1000x128xf32, #tpu.memory_space<vmem>>, vector<1x1000x128xf32>
    %get3A_8 = vector.shape_cast %get3A_7 : vector<1x1000x128xf32> to vector<1000x128xf32>
    %add3A = arith.addf %get3A_3, %get3A_8 : vector<1000x128xf32>
    %get3A_9 = arith.constant 0 : index
    %get3A_10 = arith.constant 0 : index
    %get3A_11 = vector.load %arg2[%get3A_9, %get3A_10] : memref<1000x128xf32, #tpu.memory_space<vmem>>, vector<1000x128xf32>
    %add3A_12 = arith.addf %add3A, %get3A_11 : vector<1000x128xf32>
    %get3A_13 = arith.constant 0 : index
    %get3A_14 = arith.constant 0 : index
    %get3A_15 = vector.load %arg3[%get3A_13, %get3A_14] : memref<1000x1xf32, #tpu.memory_space<vmem>>, vector<1000x1xf32>
    %mul3A = vector.broadcast %get3A_15 : vector<1000x1xf32> to vector<1000x128xf32>
    %mul3A_16 = arith.mulf %mul3A, %add3A_12 : vector<1000x128xf32>
    %get3A_17 = arith.constant 0 : index
    %get3A_18 = arith.constant 0 : index
    %get3A_19 = vector.load %arg4[%get3A_17, %get3A_18] : memref<1x128xf32, #tpu.memory_space<vmem>>, vector<1x128xf32>
    %add3A_20 = vector.broadcast %get3A_19 : vector<1x128xf32> to vector<1000x128xf32>
    %add3A_21 = arith.addf %mul3A_16, %add3A_20 : vector<1000x128xf32>
    %max3A = arith.constant 0.000000e+00 : f32
    %max3A_22 = vector.broadcast %max3A : f32 to vector<1000x128xf32>
    %max3A_23 = arith.maximumf %add3A_21, %max3A_22 : vector<1000x128xf32>
    %get3A_24 = arith.constant 0 : index
    %get3A_25 = arith.constant 0 : index
    %get3A_26 = vector.load %arg5[%get3A_24, %get3A_25] : memref<1000x128xf32, #tpu.memory_space<vmem>>, vector<1000x128xf32>
    %get3A_27 = arith.constant 0 : index
    %get3A_28 = arith.constant 0 : index
    %get3A_29 = vector.load %arg6[%get3A_27, %get3A_28] : memref<384x128xf32, #tpu.memory_space<vmem>>, vector<384x128xf32>
    %get3A_30 = arith.constant 0 : index
    %get3A_31 = arith.constant 0 : index
    %get3A_32 = vector.load %arg7[%get3A_30, %get3A_31] : memref<384x128xf32, #tpu.memory_space<vmem>>, vector<384x128xf32>
    %get3A_33 = arith.constant 0 : index
    %get3A_34 = arith.constant 0 : index
    %get3A_35 = vector.load %arg8[%get3A_33, %get3A_34] : memref<1x384xf32, #tpu.memory_space<vmem>>, vector<1x384xf32>
    %get3A_36 = arith.constant 0 : index
    %get3A_37 = arith.constant 0 : index
    %get3A_38 = vector.load %arg9[%get3A_36, %get3A_37] : memref<1x384xf32, #tpu.memory_space<vmem>>, vector<1x384xf32>
    %dot_general3A = arith.constant dense<0.000000e+00> : vector<1000x384xf32>
    %dot_general3A_39 = tpu.matmul %max3A_23, %get3A_29, %dot_general3A {dimension_numbers = #tpu.dot_dimension_numbers<[1], [1], [0], [0], [0, 0, 1, 0], [], []>, transpose_lhs_hint = false} : vector<1000x128xf32>, vector<384x128xf32>, vector<1000x384xf32> -> vector<1000x384xf32>
    %add3A_40 = vector.broadcast %get3A_35 : vector<1x384xf32> to vector<1000x384xf32>
    %add3A_41 = arith.addf %dot_general3A_39, %add3A_40 : vector<1000x384xf32>
    %dot_general3A_42 = arith.constant dense<0.000000e+00> : vector<1000x384xf32>
    %dot_general3A_43 = tpu.matmul %get3A_26, %get3A_32, %dot_general3A_42 {dimension_numbers = #tpu.dot_dimension_numbers<[1], [1], [0], [0], [0, 0, 1, 0], [], []>, transpose_lhs_hint = false} : vector<1000x128xf32>, vector<384x128xf32>, vector<1000x384xf32> -> vector<1000x384xf32>
    %add3A_44 = vector.broadcast %get3A_38 : vector<1x384xf32> to vector<1000x384xf32>
    %add3A_45 = arith.addf %dot_general3A_43, %add3A_44 : vector<1000x384xf32>
    %slice3A = vector.extract_strided_slice %add3A_41 {offsets = [0, 0], sizes = [1000, 128], strides = [1, 1]} : vector<1000x384xf32> to vector<1000x128xf32>
    %slice3A_46 = vector.extract_strided_slice %add3A_41 {offsets = [0, 128], sizes = [1000, 128], strides = [1, 1]} : vector<1000x384xf32> to vector<1000x128xf32>
    %slice3A_47 = vector.extract_strided_slice %add3A_41 {offsets = [0, 256], sizes = [1000, 128], strides = [1, 1]} : vector<1000x384xf32> to vector<1000x128xf32>
    %slice3A_48 = vector.extract_strided_slice %add3A_45 {offsets = [0, 0], sizes = [1000, 128], strides = [1, 1]} : vector<1000x384xf32> to vector<1000x128xf32>
    %slice3A_49 = vector.extract_strided_slice %add3A_45 {offsets = [0, 128], sizes = [1000, 128], strides = [1, 1]} : vector<1000x384xf32> to vector<1000x128xf32>
    %slice3A_50 = vector.extract_strided_slice %add3A_45 {offsets = [0, 256], sizes = [1000, 128], strides = [1, 1]} : vector<1000x384xf32> to vector<1000x128xf32>
    %add3A_51 = arith.addf %slice3A, %slice3A_48 : vector<1000x128xf32>
    %logistic3A = arith.negf %add3A_51 : vector<1000x128xf32>
    %logistic3A_52 = math.exp %logistic3A : vector<1000x128xf32>
    %logistic3A_53 = arith.constant 1.000000e+00 : f32
    %logistic3A_54 = vector.broadcast %logistic3A_53 : f32 to vector<1000x128xf32>
    %logistic3A_55 = arith.addf %logistic3A_54, %logistic3A_52 : vector<1000x128xf32>
    %logistic3A_56 = arith.divf %logistic3A_54, %logistic3A_55 : vector<1000x128xf32>
    %add3A_57 = arith.addf %slice3A_46, %slice3A_49 : vector<1000x128xf32>
    %logistic3A_58 = arith.negf %add3A_57 : vector<1000x128xf32>
    %logistic3A_59 = math.exp %logistic3A_58 : vector<1000x128xf32>
    %logistic3A_60 = arith.constant 1.000000e+00 : f32
    %logistic3A_61 = vector.broadcast %logistic3A_60 : f32 to vector<1000x128xf32>
    %logistic3A_62 = arith.addf %logistic3A_61, %logistic3A_59 : vector<1000x128xf32>
    %logistic3A_63 = arith.divf %logistic3A_61, %logistic3A_62 : vector<1000x128xf32>
    %mul3A_64 = arith.mulf %logistic3A_56, %slice3A_50 : vector<1000x128xf32>
    %add3A_65 = arith.addf %slice3A_47, %mul3A_64 : vector<1000x128xf32>
    %tanh3A = math.tanh %add3A_65 : vector<1000x128xf32>
    %sub3A = arith.constant 1.000000e+00 : f32
    %sub3A_66 = vector.broadcast %sub3A : f32 to vector<1000x128xf32>
    %sub3A_67 = arith.subf %sub3A_66, %logistic3A_63 : vector<1000x128xf32>
    %mul3A_68 = arith.mulf %sub3A_67, %tanh3A : vector<1000x128xf32>
    %mul3A_69 = arith.mulf %logistic3A_63, %get3A_26 : vector<1000x128xf32>
    %add3A_70 = arith.addf %mul3A_68, %mul3A_69 : vector<1000x128xf32>
    %swap3A = arith.constant 0 : index
    %swap3A_71 = arith.constant 0 : index
    %swap3A_72 = vector.load %arg11[%swap3A, %swap3A_71] : memref<1000x128xf32, #tpu.memory_space<vmem>>, vector<1000x128xf32>
    tpu.vector_store %arg11[%swap3A, %swap3A_71], %add3A_70 {strides = array<i32>} : memref<1000x128xf32, #tpu.memory_space<vmem>>, vector<1000x128xf32>,
    %get3A_73 = arith.constant 0 : index
    %get3A_74 = arith.constant 0 : index
    %get3A_75 = vector.load %arg3[%get3A_73, %get3A_74] : memref<1000x1xf32, #tpu.memory_space<vmem>>, vector<1000x1xf32>
    %get3A_76 = arith.constant 0 : index
    %get3A_77 = arith.constant 0 : index
    %get3A_78 = vector.load %arg10[%get3A_76, %get3A_77] : memref<128x128xf32, #tpu.memory_space<vmem>>, vector<128x128xf32>
    %dot_general3A_79 = arith.constant dense<0.000000e+00> : vector<1000x128xf32>
    %dot_general3A_80 = tpu.matmul %max3A_23, %get3A_78, %dot_general3A_79 {dimension_numbers = #tpu.dot_dimension_numbers<[1], [1], [0], [0], [0, 0, 1, 0], [], []>, transpose_lhs_hint = false} : vector<1000x128xf32>, vector<128x128xf32>, vector<1000x128xf32> -> vector<1000x128xf32>
    %mul3A_81 = vector.broadcast %get3A_75 : vector<1000x1xf32> to vector<1000x128xf32>
    %mul3A_82 = arith.mulf %mul3A_81, %dot_general3A_80 : vector<1000x128xf32>
    %swap3A_83 = arith.constant 0 : index
    %swap3A_84 = arith.constant 0 : index
    %swap3A_85 = vector.load %arg12[%swap3A_83, %swap3A_84] : memref<1000x128xf32, #tpu.memory_space<vmem>>, vector<1000x128xf32>
    tpu.vector_store %arg12[%swap3A_83, %swap3A_84], %mul3A_82 {strides = array<i32>} : memref<1000x128xf32, #tpu.memory_space<vmem>>, vector<1000x128xf32>,
    return
  }
  func.func @transform_0(%arg0: i32) -> (i32, i32, i32) {
    %c0_i32 = arith.constant 0 : i32
    %c0_i32_0 = arith.constant 0 : i32
    %c0_i32_1 = arith.constant 0 : i32
    return %c0_i32, %arg0, %c0_i32_0 : i32, i32, i32
  }
  func.func @transform_1(%arg0: i32) -> (i32, i32) {
    %c0_i32 = arith.constant 0 : i32
    %c0_i32_0 = arith.constant 0 : i32
    return %arg0, %c0_i32 : i32, i32
  }
  func.func @transform_2(%arg0: i32) -> (i32, i32) {
    %c0_i32 = arith.constant 0 : i32
    %c0_i32_0 = arith.constant 0 : i32
    return %arg0, %c0_i32 : i32, i32
  }
  func.func @transform_3(%arg0: i32) -> (i32, i32) {
    %c0_i32 = arith.constant 0 : i32
    %c0_i32_0 = arith.constant 0 : i32
    %c0_i32_1 = arith.constant 0 : i32
    return %c0_i32, %c0_i32_0 : i32, i32
  }
  func.func @transform_4(%arg0: i32) -> (i32, i32) {
    %c0_i32 = arith.constant 0 : i32
    %c0_i32_0 = arith.constant 0 : i32
    return %arg0, %c0_i32 : i32, i32
  }
  func.func @transform_5(%arg0: i32) -> (i32, i32) {
    %c0_i32 = arith.constant 0 : i32
    %c0_i32_0 = arith.constant 0 : i32
    %c0_i32_1 = arith.constant 0 : i32
    return %c0_i32, %c0_i32_0 : i32, i32
  }
  func.func @transform_6(%arg0: i32) -> (i32, i32) {
    %c0_i32 = arith.constant 0 : i32
    %c0_i32_0 = arith.constant 0 : i32
    %c0_i32_1 = arith.constant 0 : i32
    return %c0_i32, %c0_i32_0 : i32, i32
  }
  func.func @transform_7(%arg0: i32) -> (i32, i32) {
    %c0_i32 = arith.constant 0 : i32
    %c0_i32_0 = arith.constant 0 : i32
    %c0_i32_1 = arith.constant 0 : i32
    return %c0_i32, %c0_i32_0 : i32, i32
  }
  func.func @transform_8(%arg0: i32) -> (i32, i32) {
    %c0_i32 = arith.constant 0 : i32
    %c0_i32_0 = arith.constant 0 : i32
    %c0_i32_1 = arith.constant 0 : i32
    return %c0_i32, %c0_i32_0 : i32, i32
  }
  func.func @transform_9(%arg0: i32) -> (i32, i32) {
    %c0_i32 = arith.constant 0 : i32
    %c0_i32_0 = arith.constant 0 : i32
    %c0_i32_1 = arith.constant 0 : i32
    return %c0_i32, %c0_i32_0 : i32, i32
  }
  func.func @transform_10(%arg0: i32) -> (i32, i32) {
    %c0_i32 = arith.constant 0 : i32
    %c0_i32_0 = arith.constant 0 : i32
    return %arg0, %c0_i32 : i32, i32
  }
  func.func @transform_11(%arg0: i32) -> (i32, i32) {
    %c0_i32 = arith.constant 0 : i32
    %c0_i32_0 = arith.constant 0 : i32
    return %arg0, %c0_i32 : i32, i32
  }
}

module attributes {stable_mosaic.version = 14 : i64} {
  func.func @_stage_last_body(%arg0: i32, %arg1: memref<2x1000x128xf32, #tpu.memory_space<vmem>>, %arg2: memref<1000x128xf32, #tpu.memory_space<vmem>>, %arg3: memref<1000x1xf32, #tpu.memory_space<vmem>>, %arg4: memref<1x128xf32, #tpu.memory_space<vmem>>, %arg5: memref<1000x128xf32, #tpu.memory_space<vmem>>, %arg6: memref<384x128xf32, #tpu.memory_space<vmem>>, %arg7: memref<384x128xf32, #tpu.memory_space<vmem>>, %arg8: memref<1x384xf32, #tpu.memory_space<vmem>>, %arg9: memref<1x384xf32, #tpu.memory_space<vmem>>, %arg10: memref<40x128xf32, #tpu.memory_space<vmem>>, %arg11: memref<1x40xf32, #tpu.memory_space<vmem>>, %arg12: memref<1000x40xf32, #tpu.memory_space<vmem>>) attributes {dimension_semantics = [#tpu.dimension_semantics<arbitrary>], iteration_bounds = array<i64: 10>, scalar_prefetch = 0 : i64, scratch_operands = 0 : i64, tpu.core_type = #tpu.core_type<tc>, window_params = [{transform_indices = @transform_0, window_bounds = array<i64: 2, 1000, 128>}, {transform_indices = @transform_1, window_bounds = array<i64: 1000, 128>}, {transform_indices = @transform_2, window_bounds = array<i64: 1000, 1>}, {pipeline_mode = #tpu.pipeline_mode<synchronous>, transform_indices = @transform_3, window_bounds = array<i64: 1, 128>}, {transform_indices = @transform_4, window_bounds = array<i64: 1000, 128>}, {pipeline_mode = #tpu.pipeline_mode<synchronous>, transform_indices = @transform_5, window_bounds = array<i64: 384, 128>}, {pipeline_mode = #tpu.pipeline_mode<synchronous>, transform_indices = @transform_6, window_bounds = array<i64: 384, 128>}, {pipeline_mode = #tpu.pipeline_mode<synchronous>, transform_indices = @transform_7, window_bounds = array<i64: 1, 384>}, {pipeline_mode = #tpu.pipeline_mode<synchronous>, transform_indices = @transform_8, window_bounds = array<i64: 1, 384>}, {pipeline_mode = #tpu.pipeline_mode<synchronous>, transform_indices = @transform_9, window_bounds = array<i64: 40, 128>}, {pipeline_mode = #tpu.pipeline_mode<synchronous>, transform_indices = @transform_10, window_bounds = array<i64: 1, 40>}, {transform_indices = @transform_11, window_bounds = array<i64: 1000, 40>}]} {
    %get3A = arith.constant 0 : index
    %get3A_0 = arith.constant 0 : index
    %get3A_1 = arith.constant 0 : index
    %get3A_2 = vector.load %arg1[%get3A, %get3A_0, %get3A_1] : memref<2x1000x128xf32, #tpu.memory_space<vmem>>, vector<1x1000x128xf32>
    %get3A_3 = vector.shape_cast %get3A_2 : vector<1x1000x128xf32> to vector<1000x128xf32>
    %get3A_4 = arith.constant 1 : index
    %get3A_5 = arith.constant 0 : index
    %get3A_6 = arith.constant 0 : index
    %get3A_7 = vector.load %arg1[%get3A_4, %get3A_5, %get3A_6] : memref<2x1000x128xf32, #tpu.memory_space<vmem>>, vector<1x1000x128xf32>
    %get3A_8 = vector.shape_cast %get3A_7 : vector<1x1000x128xf32> to vector<1000x128xf32>
    %add3A = arith.addf %get3A_3, %get3A_8 : vector<1000x128xf32>
    %get3A_9 = arith.constant 0 : index
    %get3A_10 = arith.constant 0 : index
    %get3A_11 = vector.load %arg2[%get3A_9, %get3A_10] : memref<1000x128xf32, #tpu.memory_space<vmem>>, vector<1000x128xf32>
    %add3A_12 = arith.addf %add3A, %get3A_11 : vector<1000x128xf32>
    %get3A_13 = arith.constant 0 : index
    %get3A_14 = arith.constant 0 : index
    %get3A_15 = vector.load %arg3[%get3A_13, %get3A_14] : memref<1000x1xf32, #tpu.memory_space<vmem>>, vector<1000x1xf32>
    %mul3A = vector.broadcast %get3A_15 : vector<1000x1xf32> to vector<1000x128xf32>
    %mul3A_16 = arith.mulf %mul3A, %add3A_12 : vector<1000x128xf32>
    %get3A_17 = arith.constant 0 : index
    %get3A_18 = arith.constant 0 : index
    %get3A_19 = vector.load %arg4[%get3A_17, %get3A_18] : memref<1x128xf32, #tpu.memory_space<vmem>>, vector<1x128xf32>
    %add3A_20 = vector.broadcast %get3A_19 : vector<1x128xf32> to vector<1000x128xf32>
    %add3A_21 = arith.addf %mul3A_16, %add3A_20 : vector<1000x128xf32>
    %max3A = arith.constant 0.000000e+00 : f32
    %max3A_22 = vector.broadcast %max3A : f32 to vector<1000x128xf32>
    %max3A_23 = arith.maximumf %add3A_21, %max3A_22 : vector<1000x128xf32>
    %get3A_24 = arith.constant 0 : index
    %get3A_25 = arith.constant 0 : index
    %get3A_26 = vector.load %arg5[%get3A_24, %get3A_25] : memref<1000x128xf32, #tpu.memory_space<vmem>>, vector<1000x128xf32>
    %get3A_27 = arith.constant 0 : index
    %get3A_28 = arith.constant 0 : index
    %get3A_29 = vector.load %arg6[%get3A_27, %get3A_28] : memref<384x128xf32, #tpu.memory_space<vmem>>, vector<384x128xf32>
    %get3A_30 = arith.constant 0 : index
    %get3A_31 = arith.constant 0 : index
    %get3A_32 = vector.load %arg7[%get3A_30, %get3A_31] : memref<384x128xf32, #tpu.memory_space<vmem>>, vector<384x128xf32>
    %get3A_33 = arith.constant 0 : index
    %get3A_34 = arith.constant 0 : index
    %get3A_35 = vector.load %arg8[%get3A_33, %get3A_34] : memref<1x384xf32, #tpu.memory_space<vmem>>, vector<1x384xf32>
    %get3A_36 = arith.constant 0 : index
    %get3A_37 = arith.constant 0 : index
    %get3A_38 = vector.load %arg9[%get3A_36, %get3A_37] : memref<1x384xf32, #tpu.memory_space<vmem>>, vector<1x384xf32>
    %dot_general3A = arith.constant dense<0.000000e+00> : vector<1000x384xf32>
    %dot_general3A_39 = tpu.matmul %max3A_23, %get3A_29, %dot_general3A {dimension_numbers = #tpu.dot_dimension_numbers<[1], [1], [0], [0], [0, 0, 1, 0], [], []>, transpose_lhs_hint = false} : vector<1000x128xf32>, vector<384x128xf32>, vector<1000x384xf32> -> vector<1000x384xf32>
    %add3A_40 = vector.broadcast %get3A_35 : vector<1x384xf32> to vector<1000x384xf32>
    %add3A_41 = arith.addf %dot_general3A_39, %add3A_40 : vector<1000x384xf32>
    %dot_general3A_42 = arith.constant dense<0.000000e+00> : vector<1000x384xf32>
    %dot_general3A_43 = tpu.matmul %get3A_26, %get3A_32, %dot_general3A_42 {dimension_numbers = #tpu.dot_dimension_numbers<[1], [1], [0], [0], [0, 0, 1, 0], [], []>, transpose_lhs_hint = false} : vector<1000x128xf32>, vector<384x128xf32>, vector<1000x384xf32> -> vector<1000x384xf32>
    %add3A_44 = vector.broadcast %get3A_38 : vector<1x384xf32> to vector<1000x384xf32>
    %add3A_45 = arith.addf %dot_general3A_43, %add3A_44 : vector<1000x384xf32>
    %slice3A = vector.extract_strided_slice %add3A_41 {offsets = [0, 0], sizes = [1000, 128], strides = [1, 1]} : vector<1000x384xf32> to vector<1000x128xf32>
    %slice3A_46 = vector.extract_strided_slice %add3A_41 {offsets = [0, 128], sizes = [1000, 128], strides = [1, 1]} : vector<1000x384xf32> to vector<1000x128xf32>
    %slice3A_47 = vector.extract_strided_slice %add3A_41 {offsets = [0, 256], sizes = [1000, 128], strides = [1, 1]} : vector<1000x384xf32> to vector<1000x128xf32>
    %slice3A_48 = vector.extract_strided_slice %add3A_45 {offsets = [0, 0], sizes = [1000, 128], strides = [1, 1]} : vector<1000x384xf32> to vector<1000x128xf32>
    %slice3A_49 = vector.extract_strided_slice %add3A_45 {offsets = [0, 128], sizes = [1000, 128], strides = [1, 1]} : vector<1000x384xf32> to vector<1000x128xf32>
    %slice3A_50 = vector.extract_strided_slice %add3A_45 {offsets = [0, 256], sizes = [1000, 128], strides = [1, 1]} : vector<1000x384xf32> to vector<1000x128xf32>
    %add3A_51 = arith.addf %slice3A, %slice3A_48 : vector<1000x128xf32>
    %logistic3A = arith.negf %add3A_51 : vector<1000x128xf32>
    %logistic3A_52 = math.exp %logistic3A : vector<1000x128xf32>
    %logistic3A_53 = arith.constant 1.000000e+00 : f32
    %logistic3A_54 = vector.broadcast %logistic3A_53 : f32 to vector<1000x128xf32>
    %logistic3A_55 = arith.addf %logistic3A_54, %logistic3A_52 : vector<1000x128xf32>
    %logistic3A_56 = arith.divf %logistic3A_54, %logistic3A_55 : vector<1000x128xf32>
    %add3A_57 = arith.addf %slice3A_46, %slice3A_49 : vector<1000x128xf32>
    %logistic3A_58 = arith.negf %add3A_57 : vector<1000x128xf32>
    %logistic3A_59 = math.exp %logistic3A_58 : vector<1000x128xf32>
    %logistic3A_60 = arith.constant 1.000000e+00 : f32
    %logistic3A_61 = vector.broadcast %logistic3A_60 : f32 to vector<1000x128xf32>
    %logistic3A_62 = arith.addf %logistic3A_61, %logistic3A_59 : vector<1000x128xf32>
    %logistic3A_63 = arith.divf %logistic3A_61, %logistic3A_62 : vector<1000x128xf32>
    %mul3A_64 = arith.mulf %logistic3A_56, %slice3A_50 : vector<1000x128xf32>
    %add3A_65 = arith.addf %slice3A_47, %mul3A_64 : vector<1000x128xf32>
    %tanh3A = math.tanh %add3A_65 : vector<1000x128xf32>
    %sub3A = arith.constant 1.000000e+00 : f32
    %sub3A_66 = vector.broadcast %sub3A : f32 to vector<1000x128xf32>
    %sub3A_67 = arith.subf %sub3A_66, %logistic3A_63 : vector<1000x128xf32>
    %mul3A_68 = arith.mulf %sub3A_67, %tanh3A : vector<1000x128xf32>
    %mul3A_69 = arith.mulf %logistic3A_63, %get3A_26 : vector<1000x128xf32>
    %add3A_70 = arith.addf %mul3A_68, %mul3A_69 : vector<1000x128xf32>
    %get3A_71 = arith.constant 0 : index
    %get3A_72 = arith.constant 0 : index
    %get3A_73 = vector.load %arg10[%get3A_71, %get3A_72] : memref<40x128xf32, #tpu.memory_space<vmem>>, vector<40x128xf32>
    %dot_general3A_74 = arith.constant dense<0.000000e+00> : vector<1000x40xf32>
    %dot_general3A_75 = tpu.matmul %add3A_70, %get3A_73, %dot_general3A_74 {dimension_numbers = #tpu.dot_dimension_numbers<[1], [1], [0], [0], [0, 0, 1, 0], [], []>, transpose_lhs_hint = false} : vector<1000x128xf32>, vector<40x128xf32>, vector<1000x40xf32> -> vector<1000x40xf32>
    %get3A_76 = arith.constant 0 : index
    %get3A_77 = arith.constant 0 : index
    %get3A_78 = vector.load %arg11[%get3A_76, %get3A_77] : memref<1x40xf32, #tpu.memory_space<vmem>>, vector<1x40xf32>
    %add3A_79 = vector.broadcast %get3A_78 : vector<1x40xf32> to vector<1000x40xf32>
    %add3A_80 = arith.addf %dot_general3A_75, %add3A_79 : vector<1000x40xf32>
    %swap3A = arith.constant 0 : index
    %swap3A_81 = arith.constant 0 : index
    %swap3A_82 = vector.load %arg12[%swap3A, %swap3A_81] : memref<1000x40xf32, #tpu.memory_space<vmem>>, vector<1000x40xf32>
    tpu.vector_store %arg12[%swap3A, %swap3A_81], %add3A_80 {strides = array<i32>} : memref<1000x40xf32, #tpu.memory_space<vmem>>, vector<1000x40xf32>,
    return
  }
  func.func @transform_0(%arg0: i32) -> (i32, i32, i32) {
    %c0_i32 = arith.constant 0 : i32
    %c0_i32_0 = arith.constant 0 : i32
    %c0_i32_1 = arith.constant 0 : i32
    return %c0_i32, %arg0, %c0_i32_0 : i32, i32, i32
  }
  func.func @transform_1(%arg0: i32) -> (i32, i32) {
    %c0_i32 = arith.constant 0 : i32
    %c0_i32_0 = arith.constant 0 : i32
    return %arg0, %c0_i32 : i32, i32
  }
  func.func @transform_2(%arg0: i32) -> (i32, i32) {
    %c0_i32 = arith.constant 0 : i32
    %c0_i32_0 = arith.constant 0 : i32
    return %arg0, %c0_i32 : i32, i32
  }
  func.func @transform_3(%arg0: i32) -> (i32, i32) {
    %c0_i32 = arith.constant 0 : i32
    %c0_i32_0 = arith.constant 0 : i32
    %c0_i32_1 = arith.constant 0 : i32
    return %c0_i32, %c0_i32_0 : i32, i32
  }
  func.func @transform_4(%arg0: i32) -> (i32, i32) {
    %c0_i32 = arith.constant 0 : i32
    %c0_i32_0 = arith.constant 0 : i32
    return %arg0, %c0_i32 : i32, i32
  }
  func.func @transform_5(%arg0: i32) -> (i32, i32) {
    %c0_i32 = arith.constant 0 : i32
    %c0_i32_0 = arith.constant 0 : i32
    %c0_i32_1 = arith.constant 0 : i32
    return %c0_i32, %c0_i32_0 : i32, i32
  }
  func.func @transform_6(%arg0: i32) -> (i32, i32) {
    %c0_i32 = arith.constant 0 : i32
    %c0_i32_0 = arith.constant 0 : i32
    %c0_i32_1 = arith.constant 0 : i32
    return %c0_i32, %c0_i32_0 : i32, i32
  }
  func.func @transform_7(%arg0: i32) -> (i32, i32) {
    %c0_i32 = arith.constant 0 : i32
    %c0_i32_0 = arith.constant 0 : i32
    %c0_i32_1 = arith.constant 0 : i32
    return %c0_i32, %c0_i32_0 : i32, i32
  }
  func.func @transform_8(%arg0: i32) -> (i32, i32) {
    %c0_i32 = arith.constant 0 : i32
    %c0_i32_0 = arith.constant 0 : i32
    %c0_i32_1 = arith.constant 0 : i32
    return %c0_i32, %c0_i32_0 : i32, i32
  }
  func.func @transform_9(%arg0: i32) -> (i32, i32) {
    %c0_i32 = arith.constant 0 : i32
    %c0_i32_0 = arith.constant 0 : i32
    %c0_i32_1 = arith.constant 0 : i32
    return %c0_i32, %c0_i32_0 : i32, i32
  }
  func.func @transform_10(%arg0: i32) -> (i32, i32) {
    %c0_i32 = arith.constant 0 : i32
    %c0_i32_0 = arith.constant 0 : i32
    %c0_i32_1 = arith.constant 0 : i32
    return %c0_i32, %c0_i32_0 : i32, i32
  }
  func.func @transform_11(%arg0: i32) -> (i32, i32) {
    %c0_i32 = arith.constant 0 : i32
    %c0_i32_0 = arith.constant 0 : i32
    return %arg0, %c0_i32 : i32, i32
  }
}

</mosaic_0001>

<sc_bundles>
// kernel: kernel.10.cloned.1.call-start
scs
__scs_entry_jumppad:
0x0: {  	(pc) =	sbr.rel $0x88, $3  }
0x1: {  	(tag) =	ssettag $0x0;
	lr =	simm.s32 $0x1  }
0x2: {  	[smem:$0x3F93] =	sst lr;
	_ =	strace $0xD0000000  }
0x3: {  	_ = 	snop  }
0x4: {  	_ = 	snop  }
0x5: {  	_ = 	snop  }
0x6: {  	_ = 	snop  }
0x7: {  	_ = 	snop  }
__scs_overlays_trampoline_lowered:
0x8: {  	[smem:$0x3FA2] =	sst s0  }
0x9: {  	[smem:$0x3FA3] =	sst s1  }
0xa: {  	[smem:$0x3FA4] =	sst s2  }
0xb: {  	[smem:$0x3FA5] =	sst s3  }
0xc: {  	[smem:$0x3FA6] =	sst s4  }
0xd: {  	[smem:$0x3FA7] =	sst s5  }
0xe: {  	[smem:$0x3FA8] =	sst s6  }
0xf: {  	[smem:$0x3FA9] =	sst s7  }
0x10: {  	[smem:$0x3FAA] =	sst s8  }
0x11: {  	[smem:$0x3FAB] =	sst s9;
	s0 =	simm.s32 @!p0 $0x0  }
0x12: {  	s1 =	sld [smem:$0x3F91];
	s0 =	simm.s32 @p0 $0x1  }
0x13: {  	[smem:$0x3FAC] =	sst s0;
	s0 =	simm.s32 @!p1 $0x0  }
0x14: {  	s2 =	sld [smem:$0x3F90];
	s0 =	simm.s32 @p1 $0x1  }
0x15: {  	[smem:$0x3FAD] =	sst s0;
	s0 =	simm.s32 @!p2 $0x0  }
0x16: {  	s3 =	sld [smem:$0x3FDB];
	s0 =	simm.s32 @p2 $0x1  }
0x17: {  	s4 =	simm.s32 $0x1BF5;
	[smem:$0x3FAF] =	sst s0  }
0x18: {  	s0 =	sld [smem:$0x3F92];
	_ =	swait.ge [sflag:s4], $0x0  }
0x19: {  	s7 =	sld [smem:$0x3F93]  }
0x1a: {  	s8 =	sadd.s32 $0xFFFFE003, lr  }
0x1b: {  	s9 =	sadd.s32 $0xFFFFFEF7, lr;
	s5 =	simm.s32 $0xFFFFFFFF;
	p2 =	slt.u32 s8, $0xFFFFF086  }
0x1c: {  	p1 =	slt.u32 s9, $0xF7A;
	s5 =	simm.s32 @!p2 $0x0  }
0x1d: {  	s5 =	simm.s32 @p1 $0x1;
	p0 =	seq.s32 s7, s2  }
0x1e: {  	s7 =	smul.u32 @!p0 $0xF7A, s2;
	p2 =	seq.s32 @!p0 s5, $0x0  }
0x1f: {  	s9 =	smul.u32 $0xF7A, s1;
	s8 =	simm.s32 @!p0 $0x1BF5;
	p2 =	por !p2, p0  }
0x20: {  	[sflag:s8] =	ssyncset.s32 @!p0 $0xFFFFF086;
	s6 =	sadd.s32 @!p0 s3, s7;
	s7 =	simm.s32 @!p0 $0x108  }
0x21: {  	s3 =	sadd.s32 s3, s9;
	s6 =	sadd.s32 @!p0 $0x88, s6;
	s7 =	simm.s32 @p2 $0x1082  }
0x22: {  	[simem:s7], [sflag:s8] =	dma.local @!p0 [hbm:s6], $0xF7A  }
0x23: {  	s9 =	sor.u32 $0xD0000000, s2;
	s6 =	simm.s32 $0x108;
	_ =	swait.ge @!p0 [sflag:s8], $0x0  }
0x24: {  	s3 =	sadd.s32 $0x88, s3;
	s6 =	simm.s32 @!p1 $0x1082;
	[sflag:s4] =	ssyncset.s32 $0xFFFFF086  }
0x25: {  	[simem:s6], [sflag:s4] =	dma.local [hbm:s3], $0xF7A  }
0x26: {  	[smem:$0x3F93] =	sst s1;
	(tag) =	ssettag s2;
	_ =	strace s9  }
0x27: {  	s1 =	sld [smem:$0x3FA3]  }
0x28: {  	s2 =	sld [smem:$0x3FA4]  }
0x29: {  	s4 =	sld [smem:$0x3FA6]  }
0x2a: {  	p0 =	seq.s32 s5, $0x0;
	s5 =	sld [smem:$0x3FA7]  }
0x2b: {  	s6 =	sld [smem:$0x3FA8]  }
0x2c: {  	s7 =	sld [smem:$0x3FA9]  }
0x2d: {  	s3 =	simm.s32 $0x108;
	s8 =	sld [smem:$0x3FAA]  }
0x2e: {  	s3 =	simm.s32 @!p0 $0x1082;
	s9 =	sld [smem:$0x3FAB]  }
0x2f: {  	lr =	sadd.s32 s0, s3;
	s0 =	sld [smem:$0x3FA2]  }
0x30: {  	s3 =	sld [smem:$0x3FA5]  }
0x31: {  	[smem:$0x3FAE] =	sst s10  }
0x32: {  	s10 =	sld [smem:$0x3FAC];
	_ =	sdelay $0x3  }
0x33: {  	p0 =	seq.s32 s10, $0x1;
	s10 =	sld [smem:$0x3FAE];
	_ =	sdelay $0x3  }
0x34: {  	[smem:$0x3FAE] =	sst s10  }
0x35: {  	s10 =	sld [smem:$0x3FAD];
	_ =	sdelay $0x3  }
0x36: {  	p1 =	seq.s32 s10, $0x1;
	s10 =	sld [smem:$0x3FAE];
	_ =	sdelay $0x3  }
0x37: {  	[smem:$0x3FAE] =	sst s10  }
0x38: {  	s10 =	sld [smem:$0x3FAF]  }
0x39: {  	_ = 	snop;
	(pc) =	sbr.ind lr, $3  }
0x3a: {  	_ = 	snop  }
0x3b: {  	_ = 	snop  }
0x3c: {  	p2 =	seq.s32 s10, $0x1;
	s10 =	sld [smem:$0x3FAE]  }
0x3d: {  	_ =	shalt  }
0x3e: {  	_ =	shalt  }
0x3f: {  	_ =	shalt  }
0x40: {  	_ =	shalt  }
0x41: {  	_ =	shalt  }
0x42: {  	_ =	shalt  }
0x43: {  	_ =	shalt  }
0x44: {  	_ =	shalt  }
0x45: {  	_ =	shalt  }
0x46: {  	_ =	shalt  }
0x47: {  	_ =	shalt  }
0x48: {  	_ =	shalt  }
0x49: {  	_ =	shalt  }
0x4a: {  	_ =	shalt  }
0x4b: {  	_ =	shalt  }
0x4c: {  	_ =	shalt  }
0x4d: {  	_ =	shalt  }
0x4e: {  	_ =	shalt  }
0x4f: {  	_ =	shalt  }
0x50: {  	_ =	shalt  }
0x51: {  	_ =	shalt  }
0x52: {  	_ =	shalt  }
0x53: {  	_ =	shalt  }
0x54: {  	_ =	shalt  }
0x55: {  	_ =	shalt  }
0x56: {  	_ =	shalt  }
0x57: {  	_ =	shalt  }
0x58: {  	_ =	shalt  }
0x59: {  	_ =	shalt  }
0x5a: {  	_ =	shalt  }
0x5b: {  	_ =	shalt  }
0x5c: {  	_ =	shalt  }
0x5d: {  	_ =	shalt  }
0x5e: {  	_ =	shalt  }
0x5f: {  	_ =	shalt  }
0x60: {  	_ =	shalt  }
0x61: {  	_ =	shalt  }
0x62: {  	_ =	shalt  }
0x63: {  	_ =	shalt  }
0x64: {  	_ =	shalt  }
0x65: {  	_ =	shalt  }
0x66: {  	_ =	shalt  }
0x67: {  	_ =	shalt  }
0x68: {  	_ =	shalt  }
0x69: {  	_ =	shalt  }
0x6a: {  	_ =	shalt  }
0x6b: {  	_ =	shalt  }
0x6c: {  	_ =	shalt  }
0x6d: {  	_ =	shalt  }
0x6e: {  	_ =	shalt  }
0x6f: {  	_ =	shalt  }
0x70: {  	_ =	shalt  }
0x71: {  	_ =	shalt  }
0x72: {  	_ =	shalt  }
0x73: {  	_ =	shalt  }
0x74: {  	_ =	shalt  }
0x75: {  	_ =	shalt  }
0x76: {  	_ =	shalt  }
0x77: {  	_ =	shalt  }
0x78: {  	_ =	shalt  }
0x79: {  	_ =	shalt  }
0x7a: {  	_ =	shalt  }
0x7b: {  	_ =	shalt  }
0x7c: {  	_ =	shalt  }
0x7d: {  	_ =	shalt  }
0x7e: {  	_ =	shalt  }
0x7f: {  	_ =	shalt  }
0x80: {  	_ =	shalt  }
0x81: {  	_ =	shalt  }
0x82: {  	_ =	shalt  }
0x83: {  	_ =	shalt  }
0x84: {  	_ =	shalt  }
0x85: {  	_ =	shalt  }
0x86: {  	_ =	shalt  }
0x87: {  	_ =	shalt  }
.Lfunc_end0:
.L_simem_size_0:
called_computation_lowered:
.L_overlay_start_0:
0x88: {  	s2 =	sld [smem:$0x3FD9]  }
0x89: {  	s3 =	sld [smem:$0x3FFE];
	_ =	sdelay $0x1  }
0x8a: {  	s1 =	srdreg.scid  }
0x8b: {  	s0 =	sand.u32 $0x1, s1  }
0x8c: {  	s17 =	sshll.u32 s0, $0xA;
	s2 =	sadd.s32 s3, s2  }
0x8d: {  	s2 =	sadd.s32 s2, s17  }
0x8e: {  	[smem:$0x3FBA] =	sst s2  }
0x8f: {  	_ = 	snop  }
0x90: {  	s2 =	sld [smem:$0x3FD0];
	(tm) =	ssettm $0x1  }
0x91: {  	s18 =	sld [smem:$0x3FFB];
	_ =	sdelay $0x3  }
0x92: {  	_ =	strace s18  }
0x93: {  	s3 =	sld [smem:$0x3FFC];
	_ =	sdelay $0x3  }
0x94: {  	_ =	strace s3  }
0x95: {  	s3 =	sld [smem:$0x3FFD];
	_ =	sdelay $0x3  }
0x96: {  	_ =	strace s3  }
0x97: {  	_ =	strace $0x8FFFFFFF  }
0x98: {  	s19 =	sld [smem:$0x3FDB];
	_ =	sdelay $0x1  }
0x99: {  	s4 =	simm.s32 $_scs_section_size  }
0x9a: {  	s5 =	simm.s32 $_size__tile_overlayer_lowered;
	s6 =	simm.s32 $_tile_overlayer_lowered  }
0x9b: {  	s22 =	simm.s32 $0x1BFF;
	s21 =	sshll.u32 s6, $0x1;
	s3 =	sadd.s32 s4, s19  }
0x9c: {  	s7 =	simm.s32 $0x0;
	s20 =	sshll.u32 s5, $0x1;
	s5 =	sadd.s32 s21, s3  }
0x9d: {  	[timem:s7], [sflag:s22] =	dma.local [hbm:s5], s20  }
0x9e: {  	_ =	swait.ge [sflag:s22], s20  }
0x9f: {  	s4 =	ssub.s32 $0x0, s20;
	[sflag:s22] =	ssyncset.done $0x0  }
0xa0: {  	[sflag:s22] =	ssyncadd.s32 s4;
	_ =	sdelay $0x1  }
0xa1: {  	s23 =	simm.s32 $0x1B8B  }
0xa2: {  	_ =	swait.ge [sflag:s23], $0x1  }
0xa3: {  	[sflag:s23] =	ssyncset.done $0x0  }
0xa4: {  	s25 =	simm.s32 $0x1B8E;
	s24 =	sld [smem:$0x3FFE];
	[sflag:s23] =	ssyncadd.s32 $0xFFFFFFFF  }
0xa5: {  	s26 =	simm.s32 $execute0_lowered;
	[smem:$0x3FD2] =	sst s25  }
0xa6: {  	s5 =	sshll.u32 s26, $0x1;
	_ =	strace $0x80000046;
	[dreg:$0x1] =	wrdreg $0xFFFFFFFF  }
0xa7: {  	s28 =	simm.s32 $_size_execute0_lowered;
	s3 =	sadd.s32 s3, s5;
	[dreg:$0x0] =	wrdreg $0x0  }
0xa8: {  	s5 =	sshll.u32 s28, $0x1;
	[dreg:$0x2] =	wrdreg s3  }
0xa9: {  	[dreg:$0x3] =	wrdreg s5  }
0xaa: {  	[dreg:$0x4] =	wrdreg $0xC0  }
0xab: {  	_ =	task [dreg:s7], $0x5FFFF  }
0xac: {  	[dreg:$0x1] =	wrdreg $0xFFFFFFFF  }
0xad: {  	[dreg:$0x0] =	wrdreg $0x60  }
0xae: {  	[dreg:$0x2] =	wrdreg s2  }
0xaf: {  	[dreg:$0x3] =	wrdreg s24  }
0xb0: {  	[dreg:$0x4] =	wrdreg $0x50000  }
0xb1: {  	[dreg:$0x5] =	wrdreg $0x9  }
0xb2: {  	_ =	task.clear_ibuf [dreg:s7], $0x6FFFF;
	_ =	strace $0x90000046  }
0xb3: {  	s29 =	simm.s32 $0x9;
	_ =	strace $0x80000048  }
0xb4: {  	_ =	swait.ge [sflag:s29], $0x1  }
0xb5: {  	[sflag:s29] =	ssyncadd.s32 $0xFFFFFFFF  }
0xb6: {  	_ =	strace $0x90000048  }
0xb7: {  	_ =	sfence  }
0xb8: {  	s30 =	sld [smem:$0x0];
	_ =	sdelay $0x2  }
0xb9: {  	s31 =	sshll.u32 s1, $0xD;
	s1 =	sshrl.u32 s1, $0x2  }
0xba: {  	s3 =	sand.u32 $0x4000, s31;
	s1 =	sadd.s32 s1, s30  }
0xbb: {  	s0 =	sor.u32 s3, s0;
	s1 =	sshll.u32 s1, $0x11  }
0xbc: {  	s0 =	sor.u32 s1, s0  }
0xbd: {  	s0 =	sadd.s32 $0x8F2B, s0  }
0xbe: {  	[sflag:s0] =	ssyncadd.remote.s32 $0x1  }
0xbf: {  	_ =	sfence.sel $0xFFFF  }
0xc0: {  	[dreg:$0x0] =	wrdreg $0xFFFFFFFF;
	(pc) =	sbr.abs _section_cstart, $3  }
0xc1: {  	[dreg:$0x1] =	wrdreg $0xFFFFFFFF  }
0xc2: {  	_ =	task.clear_ibuf [dreg:s7], $0x2FFFF;
	_ =	strace $0x9FFFFFFF  }
0xc3: {  	(tm) =	ssettm $0x7FFFFFFF  }
tec
execute0_lowered:
.L_overlay_start_1:
0x0: {  	(tag) =	ssettag $0x1  }
0x1: {  	s6 =	rddreg [dreg:$0x0]  }
0x2: {  	s5 =	rddreg [dreg:$0x1]  }
0x3: {  	s0 =	srdreg.scid;
	s2 =	rddreg [dreg:$0x2]  }
0x4: {  	s1 =	rddreg [dreg:$0x3];
	s3 =	simm.s32 $0x0;
	s7 =	sand.u32 $0x1, s0  }
0x5: {  	s13 =	simm.s32 $0x80;
	s0 =	stileid.u32;
	s4 =	smul.u32 $0x28000, s7  }
0x6: {  	s14 =	simm.s32 $0x20;
	s15 =	simm.s32 $0x10;
	s8 =	smul.u32 $0x2800, s0  }
0x7: {  	s16 =	simm.s32 $0x0;
	[smem:$0x7FF] =	sst s3;
	s28 =	smul.u32 $0x500, s0  }
0x8: {  	s29 =	sshll.u32 s7, $0x7;
	s11 =	smul.u32 $0xA00, s0;
	s7 =	ssub.s32 $0x2, s7  }
0x9: {  	_ =	strace $0x80000047;
	s31 =	sshll.u32 s0, $0x6;
	s30 =	sshrl.u32 s7, $0x1  }
0xa: {  	s4 =	sadd.s32 s8, s4;
	s8 =	sor.u32 s29, s28;
	s11 =	sshrl.u32 s11, $0x2  }
0xb: {  	s12 =	ssub.s32 s7, s30;
	s9 =	sshrl.u32 s4, $0x3;
	s4 =	sadd.s32 $0x10400, s5  }
0xc: {  	s8 =	sshrl.u32 s8, $0x3;
	s11 =	sadd.s32 s11, s2;
	s10 =	sadd.s32 s9, s5  }
0xd: {  	s8 =	sadd.s32 s8, s5;
	s5 =	sor.u32 $0x1C01, s31;
	s6 =	sadd.s32 s6, s9  }
0xe: {  	s9 =	smax.u32 s12, $0x1;
	s12 =	simm.s32 $0x2800;
	s7 =	sadd.s32 $0x6400, s10  }
0xf: {  	s8 =	sadd.s32 $0x10600, s8;
	s10 =	sshrl.u32 s11, $0x3;
	s11 =	simm.s32 $0x1  }
.LBB2_1:
0x10: {  	[spmem:s10], [sflag:s5] =	dma.local [hbm:s4], $0x50  }
0x11: {  	_ =	swait.ge [sflag:s11], $0x50  }
0x12: {  	[sflag:s11] =	ssyncset.done $0x0  }
0x13: {  	[sflag:s11] =	ssyncadd.s32 $0xFFFFFFB0  }
0x14: {  	[tilespmem:s3], [sflag:$0x1] =	stream.linear.gather [hbm4b:s6+s3], $0x2800, $0x38;
	[tilespmem:$0x5280] =	vst v63  }
0x15: {  	_ =	swait.ge [sflag:s11], $0x2800  }
0x16: {  	[sflag:s11] =	ssyncset.done $0x0  }
0x17: {  	[sflag:s11] =	ssyncadd.s32 $0xFFFFD800  }
0x18: {  	[tilespmem:s12], [sflag:$0x1] =	stream.linear.gather [hbm4b:s7+s3], $0x2800, $0x38;
	[tilespmem:$0x5280] =	vst v63  }
0x19: {  	_ =	swait.ge [sflag:s11], $0x2800  }
0x1a: {  	[sflag:s11] =	ssyncset.done $0x0  }
0x1b: {  	[sflag:s11] =	ssyncadd.s32 $0xFFFFD800  }
0x1c: {  	s17 =	simm.s32 $0x0;
	s18 =	simm.s32 $0x2800;
	[bflag:$0x0] =	sbarrier.arrive $0xFFFF  }
0x1d: {  	[spmem:s2] =	stream.indirect.scatter.add.f32 [tilespmem:s18], [sflag:$0x1], $0x1, s17, s13, $0xb8;
	[tilespmem:$0x5280] =	vst v63  }
0x1e: {  	s17 =	simm.s32 $0x200;
	_ =	swait.ge [sflag:s11], $0x80  }
.LBB2_2:
0x1f: {  	s18 =	sshra.s32 s17, $0x2;
	[sflag:s11] =	ssyncset.done $0x0;
	p0 =	sne.s32 s17, $0x9E00  }
.Ltmp0:
0x20: {  	s19 =	sadd.s32 $0x2800, s18;
	[sflag:s11] =	ssyncadd.s32 $0xFFFFFF80;
	(pc) =	sbr.rel @p0 .LBB2_2-.Ltmp0, $3  }
0x21: {  	[spmem:s2] =	stream.indirect.scatter.add.f32 [tilespmem:s19], [sflag:$0x1], $0x1, s18, s13, $0xb8;
	[tilespmem:$0x5280] =	vst v63  }
0x22: {  	s17 =	sadd.s32 $0x200, s17;
	_ =	sdelay $0x1  }
0x23: {  	_ =	swait.ge [sflag:s11], $0x80  }
0x24: {  	[sflag:s11] =	ssyncset.done $0x0;
	s16 =	sadd.s32 $0x1, s16  }
0x25: {  	[sflag:s11] =	ssyncadd.s32 $0xFFFFFF80;
	p0 =	sne.s32 s16, s9  }
.Ltmp1:
0x26: {  	[bflag:$0x0] =	sbarrier.arrive $0xFFFF;
	(pc) =	sbr.rel @p0 .LBB2_1-.Ltmp1, $4  }
0x27: {  	[hbm:s8@s14], [sflag:s5] =	dma.strided [spmem:s10@s15], $0x50, s11, $0x10   }
0x28: {  	_ =	swait.ge [sflag:s11], $0x50  }
0x29: {  	[sflag:s11] =	ssyncset.done $0x0  }
0x2a: {  	[sflag:s11] =	ssyncadd.s32 $0xFFFFFFB0  }
0x2b: {  	_ =	sfence.sel $0x180000  }
0x2c: {  	[bflag:$0x0] =	sbarrier.arrive $0xFFFF  }
0x2d: {  	p0 =	sne.s32 s0, $0x0;
	_ =	strace $0x90000047  }
0x2e: {  	s0 =	sadd.s32 @!p0 $0x100000, s1;
	[bflag:$0x2] =	sbarrier.arrive $0xFFFF  }
0x2f: {  	[sflag:s0] =	ssyncadd.tile.s32 @!p0 $0x1;
	_ =	shalt  }
.Lfunc_end2:
_tile_overlayer_lowered:
.L_overlay_start_2:
0x30: {  	(tag) =	ssettag $0x2  }
0x31: {  	s0 =	rddreg [dreg:$0x0];
	s2 =	stileid.u32  }
0x32: {  	s1 =	rddreg [dreg:$0x1];
	p0 =	sne.s32 s2, $0x0  }
0x33: {  	s3 =	rddreg [dreg:$0x2];
	[bflag:$0x3] =	sbarrier.arrive $0xFFFF;
	s2 =	simm.s32 @!p0 $0x1C01  }
0x34: {  	[timem:s3], [sflag:s2] =	dma.local @!p0 [hbm:s0], s1  }
0x35: {  	s0 =	simm.s32 @!p0 $0x1  }
0x36: {  	_ =	swait.ge @!p0 [sflag:s0], s1  }
0x37: {  	s1 =	ssub.s32 @!p0 $0x0, s1;
	[sflag:s0] =	ssyncset.done @!p0 $0x0  }
0x38: {  	[sflag:s0] =	ssyncadd.s32 @!p0 s1  }
0x39: {  	[bflag:$0x3] =	sbarrier.arrive $0xFFFF  }
0x3a: {  	_ =	shalt  }

// kernel: kernel.13.cloned.1.call-start
scs
__scs_entry_jumppad:
0x0: {  	(pc) =	sbr.rel $0x88, $3  }
0x1: {  	(tag) =	ssettag $0x0;
	lr =	simm.s32 $0x1  }
0x2: {  	[smem:$0x3F93] =	sst lr;
	_ =	strace $0xD0000000  }
0x3: {  	_ = 	snop  }
0x4: {  	_ = 	snop  }
0x5: {  	_ = 	snop  }
0x6: {  	_ = 	snop  }
0x7: {  	_ = 	snop  }
__scs_overlays_trampoline_lowered:
0x8: {  	[smem:$0x3FA2] =	sst s0  }
0x9: {  	[smem:$0x3FA3] =	sst s1  }
0xa: {  	[smem:$0x3FA4] =	sst s2  }
0xb: {  	[smem:$0x3FA5] =	sst s3  }
0xc: {  	[smem:$0x3FA6] =	sst s4  }
0xd: {  	[smem:$0x3FA7] =	sst s5  }
0xe: {  	[smem:$0x3FA8] =	sst s6  }
0xf: {  	[smem:$0x3FA9] =	sst s7  }
0x10: {  	[smem:$0x3FAA] =	sst s8  }
0x11: {  	[smem:$0x3FAB] =	sst s9;
	s0 =	simm.s32 @!p0 $0x0  }
0x12: {  	s1 =	sld [smem:$0x3F91];
	s0 =	simm.s32 @p0 $0x1  }
0x13: {  	[smem:$0x3FAC] =	sst s0;
	s0 =	simm.s32 @!p1 $0x0  }
0x14: {  	s2 =	sld [smem:$0x3F90];
	s0 =	simm.s32 @p1 $0x1  }
0x15: {  	[smem:$0x3FAD] =	sst s0;
	s0 =	simm.s32 @!p2 $0x0  }
0x16: {  	s3 =	sld [smem:$0x3FDB];
	s0 =	simm.s32 @p2 $0x1  }
0x17: {  	s4 =	simm.s32 $0x1BF5;
	[smem:$0x3FAF] =	sst s0  }
0x18: {  	s0 =	sld [smem:$0x3F92];
	_ =	swait.ge [sflag:s4], $0x0  }
0x19: {  	s7 =	sld [smem:$0x3F93]  }
0x1a: {  	s8 =	sadd.s32 $0xFFFFE003, lr  }
0x1b: {  	s9 =	sadd.s32 $0xFFFFFEF7, lr;
	s5 =	simm.s32 $0xFFFFFFFF;
	p2 =	slt.u32 s8, $0xFFFFF086  }
0x1c: {  	p1 =	slt.u32 s9, $0xF7A;
	s5 =	simm.s32 @!p2 $0x0  }
0x1d: {  	s5 =	simm.s32 @p1 $0x1;
	p0 =	seq.s32 s7, s2  }
0x1e: {  	s7 =	smul.u32 @!p0 $0xF7A, s2;
	p2 =	seq.s32 @!p0 s5, $0x0  }
0x1f: {  	s9 =	smul.u32 $0xF7A, s1;
	s8 =	simm.s32 @!p0 $0x1BF5;
	p2 =	por !p2, p0  }
0x20: {  	[sflag:s8] =	ssyncset.s32 @!p0 $0xFFFFF086;
	s6 =	sadd.s32 @!p0 s3, s7;
	s7 =	simm.s32 @!p0 $0x108  }
0x21: {  	s3 =	sadd.s32 s3, s9;
	s6 =	sadd.s32 @!p0 $0x88, s6;
	s7 =	simm.s32 @p2 $0x1082  }
0x22: {  	[simem:s7], [sflag:s8] =	dma.local @!p0 [hbm:s6], $0xF7A  }
0x23: {  	s9 =	sor.u32 $0xD0000000, s2;
	s6 =	simm.s32 $0x108;
	_ =	swait.ge @!p0 [sflag:s8], $0x0  }
0x24: {  	s3 =	sadd.s32 $0x88, s3;
	s6 =	simm.s32 @!p1 $0x1082;
	[sflag:s4] =	ssyncset.s32 $0xFFFFF086  }
0x25: {  	[simem:s6], [sflag:s4] =	dma.local [hbm:s3], $0xF7A  }
0x26: {  	[smem:$0x3F93] =	sst s1;
	(tag) =	ssettag s2;
	_ =	strace s9  }
0x27: {  	s1 =	sld [smem:$0x3FA3]  }
0x28: {  	s2 =	sld [smem:$0x3FA4]  }
0x29: {  	s4 =	sld [smem:$0x3FA6]  }
0x2a: {  	p0 =	seq.s32 s5, $0x0;
	s5 =	sld [smem:$0x3FA7]  }
0x2b: {  	s6 =	sld [smem:$0x3FA8]  }
0x2c: {  	s7 =	sld [smem:$0x3FA9]  }
0x2d: {  	s3 =	simm.s32 $0x108;
	s8 =	sld [smem:$0x3FAA]  }
0x2e: {  	s3 =	simm.s32 @!p0 $0x1082;
	s9 =	sld [smem:$0x3FAB]  }
0x2f: {  	lr =	sadd.s32 s0, s3;
	s0 =	sld [smem:$0x3FA2]  }
0x30: {  	s3 =	sld [smem:$0x3FA5]  }
0x31: {  	[smem:$0x3FAE] =	sst s10  }
0x32: {  	s10 =	sld [smem:$0x3FAC];
	_ =	sdelay $0x3  }
0x33: {  	p0 =	seq.s32 s10, $0x1;
	s10 =	sld [smem:$0x3FAE];
	_ =	sdelay $0x3  }
0x34: {  	[smem:$0x3FAE] =	sst s10  }
0x35: {  	s10 =	sld [smem:$0x3FAD];
	_ =	sdelay $0x3  }
0x36: {  	p1 =	seq.s32 s10, $0x1;
	s10 =	sld [smem:$0x3FAE];
	_ =	sdelay $0x3  }
0x37: {  	[smem:$0x3FAE] =	sst s10  }
0x38: {  	s10 =	sld [smem:$0x3FAF]  }
0x39: {  	_ = 	snop;
	(pc) =	sbr.ind lr, $3  }
0x3a: {  	_ = 	snop  }
0x3b: {  	_ = 	snop  }
0x3c: {  	p2 =	seq.s32 s10, $0x1;
	s10 =	sld [smem:$0x3FAE]  }
0x3d: {  	_ =	shalt  }
0x3e: {  	_ =	shalt  }
0x3f: {  	_ =	shalt  }
0x40: {  	_ =	shalt  }
0x41: {  	_ =	shalt  }
0x42: {  	_ =	shalt  }
0x43: {  	_ =	shalt  }
0x44: {  	_ =	shalt  }
0x45: {  	_ =	shalt  }
0x46: {  	_ =	shalt  }
0x47: {  	_ =	shalt  }
0x48: {  	_ =	shalt  }
0x49: {  	_ =	shalt  }
0x4a: {  	_ =	shalt  }
0x4b: {  	_ =	shalt  }
0x4c: {  	_ =	shalt  }
0x4d: {  	_ =	shalt  }
0x4e: {  	_ =	shalt  }
0x4f: {  	_ =	shalt  }
0x50: {  	_ =	shalt  }
0x51: {  	_ =	shalt  }
0x52: {  	_ =	shalt  }
0x53: {  	_ =	shalt  }
0x54: {  	_ =	shalt  }
0x55: {  	_ =	shalt  }
0x56: {  	_ =	shalt  }
0x57: {  	_ =	shalt  }
0x58: {  	_ =	shalt  }
0x59: {  	_ =	shalt  }
0x5a: {  	_ =	shalt  }
0x5b: {  	_ =	shalt  }
0x5c: {  	_ =	shalt  }
0x5d: {  	_ =	shalt  }
0x5e: {  	_ =	shalt  }
0x5f: {  	_ =	shalt  }
0x60: {  	_ =	shalt  }
0x61: {  	_ =	shalt  }
0x62: {  	_ =	shalt  }
0x63: {  	_ =	shalt  }
0x64: {  	_ =	shalt  }
0x65: {  	_ =	shalt  }
0x66: {  	_ =	shalt  }
0x67: {  	_ =	shalt  }
0x68: {  	_ =	shalt  }
0x69: {  	_ =	shalt  }
0x6a: {  	_ =	shalt  }
0x6b: {  	_ =	shalt  }
0x6c: {  	_ =	shalt  }
0x6d: {  	_ =	shalt  }
0x6e: {  	_ =	shalt  }
0x6f: {  	_ =	shalt  }
0x70: {  	_ =	shalt  }
0x71: {  	_ =	shalt  }
0x72: {  	_ =	shalt  }
0x73: {  	_ =	shalt  }
0x74: {  	_ =	shalt  }
0x75: {  	_ =	shalt  }
0x76: {  	_ =	shalt  }
0x77: {  	_ =	shalt  }
0x78: {  	_ =	shalt  }
0x79: {  	_ =	shalt  }
0x7a: {  	_ =	shalt  }
0x7b: {  	_ =	shalt  }
0x7c: {  	_ =	shalt  }
0x7d: {  	_ =	shalt  }
0x7e: {  	_ =	shalt  }
0x7f: {  	_ =	shalt  }
0x80: {  	_ =	shalt  }
0x81: {  	_ =	shalt  }
0x82: {  	_ =	shalt  }
0x83: {  	_ =	shalt  }
0x84: {  	_ =	shalt  }
0x85: {  	_ =	shalt  }
0x86: {  	_ =	shalt  }
0x87: {  	_ =	shalt  }
.Lfunc_end0:
.L_simem_size_0:
called_computation.1_lowered:
.L_overlay_start_0:
0x88: {  	s2 =	sld [smem:$0x3FD9]  }
0x89: {  	s3 =	sld [smem:$0x3FFE];
	_ =	sdelay $0x1  }
0x8a: {  	s1 =	srdreg.scid  }
0x8b: {  	s0 =	sand.u32 $0x1, s1  }
0x8c: {  	s17 =	sshll.u32 s0, $0xA;
	s2 =	sadd.s32 s3, s2  }
0x8d: {  	s2 =	sadd.s32 s2, s17  }
0x8e: {  	[smem:$0x3FBA] =	sst s2  }
0x8f: {  	_ = 	snop  }
0x90: {  	s2 =	sld [smem:$0x3FD0];
	(tm) =	ssettm $0x1  }
0x91: {  	s18 =	sld [smem:$0x3FFB];
	_ =	sdelay $0x3  }
0x92: {  	_ =	strace s18  }
0x93: {  	s3 =	sld [smem:$0x3FFC];
	_ =	sdelay $0x3  }
0x94: {  	_ =	strace s3  }
0x95: {  	s3 =	sld [smem:$0x3FFD];
	_ =	sdelay $0x3  }
0x96: {  	_ =	strace s3  }
0x97: {  	_ =	strace $0x8FFFFFFF  }
0x98: {  	s19 =	sld [smem:$0x3FDB];
	_ =	sdelay $0x1  }
0x99: {  	s4 =	simm.s32 $_scs_section_size  }
0x9a: {  	s5 =	simm.s32 $_size__tile_overlayer_lowered;
	s6 =	simm.s32 $_tile_overlayer_lowered  }
0x9b: {  	s22 =	simm.s32 $0x1BFF;
	s21 =	sshll.u32 s6, $0x1;
	s3 =	sadd.s32 s4, s19  }
0x9c: {  	s7 =	simm.s32 $0x0;
	s20 =	sshll.u32 s5, $0x1;
	s5 =	sadd.s32 s21, s3  }
0x9d: {  	[timem:s7], [sflag:s22] =	dma.local [hbm:s5], s20  }
0x9e: {  	_ =	swait.ge [sflag:s22], s20  }
0x9f: {  	s4 =	ssub.s32 $0x0, s20;
	[sflag:s22] =	ssyncset.done $0x0  }
0xa0: {  	[sflag:s22] =	ssyncadd.s32 s4;
	_ =	sdelay $0x1  }
0xa1: {  	s23 =	simm.s32 $0x1B8B  }
0xa2: {  	_ =	swait.ge [sflag:s23], $0x1  }
0xa3: {  	[sflag:s23] =	ssyncset.done $0x0  }
0xa4: {  	s25 =	simm.s32 $0x1B8E;
	s24 =	sld [smem:$0x3FFE];
	[sflag:s23] =	ssyncadd.s32 $0xFFFFFFFF  }
0xa5: {  	s26 =	simm.s32 $execute0_lowered;
	[smem:$0x3FD2] =	sst s25  }
0xa6: {  	s5 =	sshll.u32 s26, $0x1;
	_ =	strace $0x80000049;
	[dreg:$0x1] =	wrdreg $0xFFFFFFFF  }
0xa7: {  	s28 =	simm.s32 $_size_execute0_lowered;
	s3 =	sadd.s32 s3, s5;
	[dreg:$0x0] =	wrdreg $0x0  }
0xa8: {  	s5 =	sshll.u32 s28, $0x1;
	[dreg:$0x2] =	wrdreg s3  }
0xa9: {  	[dreg:$0x3] =	wrdreg s5  }
0xaa: {  	[dreg:$0x4] =	wrdreg $0xC0  }
0xab: {  	_ =	task [dreg:s7], $0x5FFFF  }
0xac: {  	[dreg:$0x1] =	wrdreg $0xFFFFFFFF  }
0xad: {  	[dreg:$0x0] =	wrdreg $0x60  }
0xae: {  	[dreg:$0x2] =	wrdreg s24  }
0xaf: {  	[dreg:$0x3] =	wrdreg s2  }
0xb0: {  	[dreg:$0x4] =	wrdreg $0xB8000  }
0xb1: {  	[dreg:$0x5] =	wrdreg $0x9  }
0xb2: {  	_ =	task.clear_ibuf [dreg:s7], $0x6FFFF;
	_ =	strace $0x90000049  }
0xb3: {  	s29 =	simm.s32 $0x9;
	_ =	strace $0x8000004B  }
0xb4: {  	_ =	swait.ge [sflag:s29], $0x1  }
0xb5: {  	[sflag:s29] =	ssyncadd.s32 $0xFFFFFFFF  }
0xb6: {  	_ =	strace $0x9000004B  }
0xb7: {  	_ =	sfence  }
0xb8: {  	s30 =	sld [smem:$0x0];
	_ =	sdelay $0x2  }
0xb9: {  	s31 =	sshll.u32 s1, $0xD;
	s1 =	sshrl.u32 s1, $0x2  }
0xba: {  	s3 =	sand.u32 $0x4000, s31;
	s1 =	sadd.s32 s1, s30  }
0xbb: {  	s0 =	sor.u32 s3, s0;
	s1 =	sshll.u32 s1, $0x11  }
0xbc: {  	s0 =	sor.u32 s1, s0  }
0xbd: {  	s0 =	sadd.s32 $0x8F2B, s0  }
0xbe: {  	[sflag:s0] =	ssyncadd.remote.s32 $0x1  }
0xbf: {  	_ =	sfence.sel $0xFFFF  }
0xc0: {  	[dreg:$0x0] =	wrdreg $0xFFFFFFFF;
	(pc) =	sbr.abs _section_cstart, $3  }
0xc1: {  	[dreg:$0x1] =	wrdreg $0xFFFFFFFF  }
0xc2: {  	_ =	task.clear_ibuf [dreg:s7], $0x2FFFF;
	_ =	strace $0x9FFFFFFF  }
0xc3: {  	(tm) =	ssettm $0x7FFFFFFF  }
tec
execute0_lowered:
.L_overlay_start_1:
0x0: {  	(tag) =	ssettag $0x1  }
0x1: {  	s6 =	rddreg [dreg:$0x0]  }
0x2: {  	s8 =	rddreg [dreg:$0x1];
	s0 =	srdreg.scid  }
0x3: {  	s2 =	rddreg [dreg:$0x2];
	s1 =	stileid.u32;
	s3 =	simm.s32 $0x0  }
0x4: {  	s17 =	simm.s32 $0x400;
	s18 =	simm.s32 $0x5000;
	s19 =	simm.s32 $0x7800  }
0x5: {  	s20 =	simm.s32 $0x1;
	s21 =	simm.s32 $0x0;
	s5 =	smul.u32 $0x2800, s1  }
0x6: {  	s7 =	sand.u32 $0x1, s0;
	s0 =	rddreg [dreg:$0x3];
	s12 =	smul.u32 $0x14000, s1  }
0x7: {  	[smem:$0x7FF] =	sst s3;
	s9 =	sshrl.u32 s1, $0x3;
	s24 =	smul.u32 $0x50000, s1  }
0x8: {  	s22 =	sshll.u32 s1, $0x7;
	s30 =	sshll.u32 s1, $0x6;
	s4 =	smul.u32 $0x28000, s7  }
0x9: {  	_ =	strace $0x8000004A;
	s9 =	smul.u32 $0x14000, s9;
	s26 =	ssub.s32 $0x2, s7  }
0xa: {  	s11 =	smul.u32 $0x140000, s7;
	s28 =	sshrl.u32 s24, $0x2;
	s29 =	sshrl.u32 s26, $0x1  }
0xb: {  	s5 =	sadd.s32 s5, s4;
	s9 =	sadd.s32 s4, s9;
	s4 =	sadd.s32 $0x4C200, s6  }
0xc: {  	s23 =	sadd.s32 s12, s11;
	s15 =	sadd.s32 s28, s2;
	s31 =	ssub.s32 s26, s29  }
0xd: {  	s10 =	sshrl.u32 s5, $0x3;
	s5 =	sand.u32 $0x380, s22;
	s16 =	sadd.s32 $0xA000, s15  }
0xe: {  	s11 =	smax.u32 s31, $0x1;
	s12 =	sshrl.u32 s15, $0x3;
	s15 =	simm.s32 $0x2800  }
0xf: {  	s13 =	sadd.s32 s10, s6;
	s5 =	sor.u32 s5, s9;
	s9 =	sshrl.u32 s23, $0x3  }
0x10: {  	s8 =	sadd.s32 s8, s10;
	s5 =	sshrl.u32 s5, $0x3;
	s14 =	sadd.s32 s9, s6  }
0x11: {  	s7 =	sadd.s32 $0x1B000, s13;
	s13 =	simm.s32 $0x2;
	s25 =	sadd.s32 s5, s6  }
0x12: {  	s5 =	sadd.s32 $0x6400, s6;
	s6 =	sor.u32 $0x1C02, s30;
	s10 =	sadd.s32 $0x9A600, s14  }
0x13: {  	s14 =	sshrl.u32 s16, $0x3;
	s16 =	simm.s32 $0x80;
	s9 =	sadd.s32 $0x11000, s25  }
.LBB2_1:
0x14: {  	[spmem:s12], [sflag:s6] =	dma.local [hbm:s5], $0x1400  }
0x15: {  	_ =	swait.ge [sflag:s13], $0x1400  }
0x16: {  	[sflag:s13] =	ssyncset.done $0x0  }
0x17: {  	[sflag:s13] =	ssyncadd.s32 $0xFFFFEC00  }
0x18: {  	[spmem:s14], [sflag:s6] =	dma.local [hbm:s5], $0x1400  }
0x19: {  	_ =	swait.ge [sflag:s13], $0x1400  }
0x1a: {  	[sflag:s13] =	ssyncset.done $0x0  }
0x1b: {  	[sflag:s13] =	ssyncadd.s32 $0xFFFFEC00  }
0x1c: {  	[tilespmem:s3], [sflag:$0x2] =	stream.linear.gather [hbm4b:s7+s3], $0x2800, $0x38;
	[tilespmem:$0x1F800] =	vst v63  }
0x1d: {  	_ =	swait.ge [sflag:s13], $0x2800  }
0x1e: {  	[sflag:s13] =	ssyncset.done $0x0  }
0x1f: {  	[sflag:s13] =	ssyncadd.s32 $0xFFFFD800  }
0x20: {  	[tilespmem:s15], [sflag:$0x2] =	stream.linear.gather [hbm4b:s8+s3], $0x2800, $0x38;
	[tilespmem:$0x1F800] =	vst v63  }
0x21: {  	_ =	swait.ge [sflag:s13], $0x2800  }
0x22: {  	[sflag:s13] =	ssyncset.done $0x0  }
0x23: {  	[sflag:s13] =	ssyncadd.s32 $0xFFFFD800  }
0x24: {  	[tilespmem:s18], [sflag:$0x2] =	stream.strided.gather [hbm4b:s9+s16], $0x2800, s17, s16, $0x38;
	[tilespmem:$0x1F800] =	vst v63  }
0x25: {  	_ =	swait.ge [sflag:s13], $0x2800  }
0x26: {  	[sflag:s13] =	ssyncset.done $0x0  }
0x27: {  	[sflag:s13] =	ssyncadd.s32 $0xFFFFD800  }
0x28: {  	s22 =	simm.s32 $0x0;
	s23 =	simm.s32 $0x0;
	[bflag:$0x0] =	sbarrier.arrive $0xFFFF  }
.LBB2_2:
0x29: {  	s24 =	sshll.u32 s23, $0x7  }
0x2a: {  	[tilespmem:s19], [sflag:$0x1] =	stream.indirect.gather [hbm4b:s4+s16], $0x80, s24, s16, $0xb8;
	[tilespmem:$0x1F800] =	vst v63  }
0x2b: {  	s25 =	sadd.s32 $0x0, s22;
	_ =	swait.ge [sflag:s20], $0x4000  }
0x2c: {  	v0 =	vmov s25;
	[sflag:s20] =	ssyncset.done $0x0  }
0x2d: {  	s25 =	simm.s32 $0x7840;
	[sflag:s20] =	ssyncadd.s32 $0xFFFFC000  }
0x2e: {  	v4 =	vld [tilespmem:s25+$0x30]  }
0x2f: {  	v7 =	vld [tilespmem:s25+$0x10]  }
0x30: {  	v5 =	vld [tilespmem:s25+$0xFFFFFFC0]  }
0x31: {  	v1 =	vld.idx.msk [tilespmem:v0+s18+$0x0], $0xffff  }
0x32: {  	v9 =	vld [tilespmem:s25+$0xFFFFFFE0]  }
0x33: {  	v2 =	vld [tilespmem:s25+$0x20]  }
0x34: {  	v3 =	vld [tilespmem:s25+$0xFFFFFFD0]  }
0x35: {  	v0 =	vld [tilespmem:s25+$0xFFFFFFF0]  }
0x36: {  	v8 =	vmul.f32 v4, v1;
	v4 =	vld [tilespmem:s25+$0x0]  }
0x37: {  	v6 =	vmul.f32 v5, v1  }
0x38: {  	s26 =	simm.s32 $0x1;
	s28 =	simm.s32 $0x7840;
	v5 =	vmul.f32 v9, v1;
	v7 =	vmul.f32 v7, v1  }
.LBB2_3:
0x39: {  	p0 =	sne.s32 s26, $0x7F  }
0x3a: {  	v3 =	vmul.f32 v3, v1;
	v2 =	vmul.f32 v2, v1;
	[tilespmem:s25+$0x30] =	vst v8;
	s28 =	sadd.s32 $0x80, s28;
	s29 =	smov.u32 s26;
	s26 =	sadd.s32 $0x1, s26  }
0x3b: {  	[tilespmem:s25+$0xFFFFFFC0] =	vst v6;
	v6 =	vmul.f32 v0, v1;
	v1 =	vmul.f32 v4, v1  }
0x3c: {  	s29 =	sadd.s32 s29, s22;
	[tilespmem:s25+$0x10] =	vst v7  }
0x3d: {  	v4 =	vmov s29;
	[tilespmem:s25+$0xFFFFFFE0] =	vst v5  }
0x3e: {  	v0 =	vld [tilespmem:s28+$0xFFFFFFF0];
	[tilespmem:s25+$0xFFFFFFF0] =	vst v6  }
0x3f: {  	v5 =	vld [tilespmem:s28+$0x30];
	[tilespmem:s25+$0x0] =	vst v1  }
0x40: {  	v7 =	vld [tilespmem:s28+$0x10];
	[tilespmem:s25+$0x20] =	vst v2  }
0x41: {  	v6 =	vld [tilespmem:s28+$0xFFFFFFC0];
	[tilespmem:s25+$0xFFFFFFD0] =	vst v3;
	s25 =	smov.u32 s28  }
0x42: {  	v1 =	vld.idx.msk [tilespmem:v4+s18+$0x0], $0xffff  }
0x43: {  	v9 =	vld [tilespmem:s28+$0xFFFFFFE0]  }
0x44: {  	v2 =	vld [tilespmem:s28+$0x20]  }
.Ltmp0:
0x45: {  	v3 =	vld [tilespmem:s28+$0xFFFFFFD0];
	(pc) =	sbr.rel @p0 .LBB2_3-.Ltmp0, $3  }
0x46: {  	v4 =	vld [tilespmem:s28+$0x0];
	_ =	sdelay $0x1  }
0x47: {  	v6 =	vmul.f32 v6, v1;
	v8 =	vmul.f32 v5, v1  }
0x48: {  	v7 =	vmul.f32 v7, v1;
	v5 =	vmul.f32 v9, v1  }
0x49: {  	[tilespmem:s25+$0x30] =	vst v8  }
0x4a: {  	[tilespmem:s25+$0xFFFFFFC0] =	vst v6  }
0x4b: {  	v0 =	vmul.f32 v0, v1;
	[tilespmem:s25+$0x10] =	vst v7  }
0x4c: {  	v2 =	vmul.f32 v2, v1;
	[tilespmem:s25+$0xFFFFFFE0] =	vst v5  }
0x4d: {  	v63 =	vmul.f32 v3, v1;
	[tilespmem:s25+$0xFFFFFFF0] =	vst v0  }
0x4e: {  	s23 =	sadd.s32 $0x1, s23;
	v4 =	vmul.f32 v4, v1;
	[tilespmem:s25+$0x20] =	vst v2  }
0x4f: {  	p0 =	sne.s32 s23, $0x50;
	[tilespmem:s25+$0xFFFFFFD0] =	vst v63  }
.Ltmp1:
0x50: {  	s24 =	sadd.s32 $0x2800, s24;
	[tilespmem:s25+$0x0] =	vst v4;
	(pc) =	sbr.rel @p0 .LBB2_2-.Ltmp1, $4  }
0x51: {  	[spmem:s2] =	stream.indirect.scatter.add.f32 [tilespmem:s19], [sflag:$0x2], $0x80, s24, s16, $0xb8;
	[tilespmem:$0x1F800] =	vst v63  }
0x52: {  	_ =	swait.ge [sflag:s13], $0x4000  }
0x53: {  	[sflag:s13] =	ssyncset.done $0x0  }
0x54: {  	s22 =	sadd.s32 $0x80, s22;
	[sflag:s13] =	ssyncadd.s32 $0xFFFFC000  }
0x55: {  	s21 =	sadd.s32 $0x1, s21  }
0x56: {  	p0 =	sne.s32 s21, s11  }
.Ltmp2:
0x57: {  	[bflag:$0x0] =	sbarrier.arrive $0xFFFF;
	(pc) =	sbr.rel @p0 .LBB2_1-.Ltmp2, $4  }
0x58: {  	[hbm:s10], [sflag:s6] =	dma.local [spmem:s12], $0x2800  }
0x59: {  	_ =	swait.ge [sflag:s13], $0x2800  }
0x5a: {  	[sflag:s13] =	ssyncset.done $0x0  }
0x5b: {  	[sflag:s13] =	ssyncadd.s32 $0xFFFFD800  }
0x5c: {  	_ =	sfence.sel $0x180000  }
0x5d: {  	[bflag:$0x0] =	sbarrier.arrive $0xFFFF  }
0x5e: {  	p0 =	sne.s32 s1, $0x0;
	_ =	strace $0x9000004A  }
0x5f: {  	s0 =	sadd.s32 @!p0 $0x100000, s0;
	[bflag:$0x2] =	sbarrier.arrive $0xFFFF  }
0x60: {  	[sflag:s0] =	ssyncadd.tile.s32 @!p0 $0x1;
	_ =	shalt  }
.Lfunc_end2:
_tile_overlayer_lowered:
.L_overlay_start_2:
0x61: {  	(tag) =	ssettag $0x2  }
0x62: {  	s0 =	rddreg [dreg:$0x0];
	s2 =	stileid.u32  }
0x63: {  	s1 =	rddreg [dreg:$0x1];
	p0 =	sne.s32 s2, $0x0  }
0x64: {  	s3 =	rddreg [dreg:$0x2];
	[bflag:$0x3] =	sbarrier.arrive $0xFFFF;
	s2 =	simm.s32 @!p0 $0x1C02  }
0x65: {  	[timem:s3], [sflag:s2] =	dma.local @!p0 [hbm:s0], s1  }
0x66: {  	s0 =	simm.s32 @!p0 $0x2  }
0x67: {  	_ =	swait.ge @!p0 [sflag:s0], s1  }
0x68: {  	s1 =	ssub.s32 @!p0 $0x0, s1;
	[sflag:s0] =	ssyncset.done @!p0 $0x0  }
0x69: {  	[sflag:s0] =	ssyncadd.s32 @!p0 s1  }
0x6a: {  	[bflag:$0x3] =	sbarrier.arrive $0xFFFF  }
0x6b: {  	_ =	shalt  }

// kernel: kernel.16.cloned.1.call-start
scs
__scs_entry_jumppad:
0x0: {  	(pc) =	sbr.rel $0x88, $3  }
0x1: {  	(tag) =	ssettag $0x0;
	lr =	simm.s32 $0x1  }
0x2: {  	[smem:$0x3F93] =	sst lr;
	_ =	strace $0xD0000000  }
0x3: {  	_ = 	snop  }
0x4: {  	_ = 	snop  }
0x5: {  	_ = 	snop  }
0x6: {  	_ = 	snop  }
0x7: {  	_ = 	snop  }
__scs_overlays_trampoline_lowered:
0x8: {  	[smem:$0x3FA2] =	sst s0  }
0x9: {  	[smem:$0x3FA3] =	sst s1  }
0xa: {  	[smem:$0x3FA4] =	sst s2  }
0xb: {  	[smem:$0x3FA5] =	sst s3  }
0xc: {  	[smem:$0x3FA6] =	sst s4  }
0xd: {  	[smem:$0x3FA7] =	sst s5  }
0xe: {  	[smem:$0x3FA8] =	sst s6  }
0xf: {  	[smem:$0x3FA9] =	sst s7  }
0x10: {  	[smem:$0x3FAA] =	sst s8  }
0x11: {  	[smem:$0x3FAB] =	sst s9;
	s0 =	simm.s32 @!p0 $0x0  }
0x12: {  	s1 =	sld [smem:$0x3F91];
	s0 =	simm.s32 @p0 $0x1  }
0x13: {  	[smem:$0x3FAC] =	sst s0;
	s0 =	simm.s32 @!p1 $0x0  }
0x14: {  	s2 =	sld [smem:$0x3F90];
	s0 =	simm.s32 @p1 $0x1  }
0x15: {  	[smem:$0x3FAD] =	sst s0;
	s0 =	simm.s32 @!p2 $0x0  }
0x16: {  	s3 =	sld [smem:$0x3FDB];
	s0 =	simm.s32 @p2 $0x1  }
0x17: {  	s4 =	simm.s32 $0x1BF5;
	[smem:$0x3FAF] =	sst s0  }
0x18: {  	s0 =	sld [smem:$0x3F92];
	_ =	swait.ge [sflag:s4], $0x0  }
0x19: {  	s7 =	sld [smem:$0x3F93]  }
0x1a: {  	s8 =	sadd.s32 $0xFFFFE003, lr  }
0x1b: {  	s9 =	sadd.s32 $0xFFFFFEF7, lr;
	s5 =	simm.s32 $0xFFFFFFFF;
	p2 =	slt.u32 s8, $0xFFFFF086  }
0x1c: {  	p1 =	slt.u32 s9, $0xF7A;
	s5 =	simm.s32 @!p2 $0x0  }
0x1d: {  	s5 =	simm.s32 @p1 $0x1;
	p0 =	seq.s32 s7, s2  }
0x1e: {  	s7 =	smul.u32 @!p0 $0xF7A, s2;
	p2 =	seq.s32 @!p0 s5, $0x0  }
0x1f: {  	s9 =	smul.u32 $0xF7A, s1;
	s8 =	simm.s32 @!p0 $0x1BF5;
	p2 =	por !p2, p0  }
0x20: {  	[sflag:s8] =	ssyncset.s32 @!p0 $0xFFFFF086;
	s6 =	sadd.s32 @!p0 s3, s7;
	s7 =	simm.s32 @!p0 $0x108  }
0x21: {  	s3 =	sadd.s32 s3, s9;
	s6 =	sadd.s32 @!p0 $0x88, s6;
	s7 =	simm.s32 @p2 $0x1082  }
0x22: {  	[simem:s7], [sflag:s8] =	dma.local @!p0 [hbm:s6], $0xF7A  }
0x23: {  	s9 =	sor.u32 $0xD0000000, s2;
	s6 =	simm.s32 $0x108;
	_ =	swait.ge @!p0 [sflag:s8], $0x0  }
0x24: {  	s3 =	sadd.s32 $0x88, s3;
	s6 =	simm.s32 @!p1 $0x1082;
	[sflag:s4] =	ssyncset.s32 $0xFFFFF086  }
0x25: {  	[simem:s6], [sflag:s4] =	dma.local [hbm:s3], $0xF7A  }
0x26: {  	[smem:$0x3F93] =	sst s1;
	(tag) =	ssettag s2;
	_ =	strace s9  }
0x27: {  	s1 =	sld [smem:$0x3FA3]  }
0x28: {  	s2 =	sld [smem:$0x3FA4]  }
0x29: {  	s4 =	sld [smem:$0x3FA6]  }
0x2a: {  	p0 =	seq.s32 s5, $0x0;
	s5 =	sld [smem:$0x3FA7]  }
0x2b: {  	s6 =	sld [smem:$0x3FA8]  }
0x2c: {  	s7 =	sld [smem:$0x3FA9]  }
0x2d: {  	s3 =	simm.s32 $0x108;
	s8 =	sld [smem:$0x3FAA]  }
0x2e: {  	s3 =	simm.s32 @!p0 $0x1082;
	s9 =	sld [smem:$0x3FAB]  }
0x2f: {  	lr =	sadd.s32 s0, s3;
	s0 =	sld [smem:$0x3FA2]  }
0x30: {  	s3 =	sld [smem:$0x3FA5]  }
0x31: {  	[smem:$0x3FAE] =	sst s10  }
0x32: {  	s10 =	sld [smem:$0x3FAC];
	_ =	sdelay $0x3  }
0x33: {  	p0 =	seq.s32 s10, $0x1;
	s10 =	sld [smem:$0x3FAE];
	_ =	sdelay $0x3  }
0x34: {  	[smem:$0x3FAE] =	sst s10  }
0x35: {  	s10 =	sld [smem:$0x3FAD];
	_ =	sdelay $0x3  }
0x36: {  	p1 =	seq.s32 s10, $0x1;
	s10 =	sld [smem:$0x3FAE];
	_ =	sdelay $0x3  }
0x37: {  	[smem:$0x3FAE] =	sst s10  }
0x38: {  	s10 =	sld [smem:$0x3FAF]  }
0x39: {  	_ = 	snop;
	(pc) =	sbr.ind lr, $3  }
0x3a: {  	_ = 	snop  }
0x3b: {  	_ = 	snop  }
0x3c: {  	p2 =	seq.s32 s10, $0x1;
	s10 =	sld [smem:$0x3FAE]  }
0x3d: {  	_ =	shalt  }
0x3e: {  	_ =	shalt  }
0x3f: {  	_ =	shalt  }
0x40: {  	_ =	shalt  }
0x41: {  	_ =	shalt  }
0x42: {  	_ =	shalt  }
0x43: {  	_ =	shalt  }
0x44: {  	_ =	shalt  }
0x45: {  	_ =	shalt  }
0x46: {  	_ =	shalt  }
0x47: {  	_ =	shalt  }
0x48: {  	_ =	shalt  }
0x49: {  	_ =	shalt  }
0x4a: {  	_ =	shalt  }
0x4b: {  	_ =	shalt  }
0x4c: {  	_ =	shalt  }
0x4d: {  	_ =	shalt  }
0x4e: {  	_ =	shalt  }
0x4f: {  	_ =	shalt  }
0x50: {  	_ =	shalt  }
0x51: {  	_ =	shalt  }
0x52: {  	_ =	shalt  }
0x53: {  	_ =	shalt  }
0x54: {  	_ =	shalt  }
0x55: {  	_ =	shalt  }
0x56: {  	_ =	shalt  }
0x57: {  	_ =	shalt  }
0x58: {  	_ =	shalt  }
0x59: {  	_ =	shalt  }
0x5a: {  	_ =	shalt  }
0x5b: {  	_ =	shalt  }
0x5c: {  	_ =	shalt  }
0x5d: {  	_ =	shalt  }
0x5e: {  	_ =	shalt  }
0x5f: {  	_ =	shalt  }
0x60: {  	_ =	shalt  }
0x61: {  	_ =	shalt  }
0x62: {  	_ =	shalt  }
0x63: {  	_ =	shalt  }
0x64: {  	_ =	shalt  }
0x65: {  	_ =	shalt  }
0x66: {  	_ =	shalt  }
0x67: {  	_ =	shalt  }
0x68: {  	_ =	shalt  }
0x69: {  	_ =	shalt  }
0x6a: {  	_ =	shalt  }
0x6b: {  	_ =	shalt  }
0x6c: {  	_ =	shalt  }
0x6d: {  	_ =	shalt  }
0x6e: {  	_ =	shalt  }
0x6f: {  	_ =	shalt  }
0x70: {  	_ =	shalt  }
0x71: {  	_ =	shalt  }
0x72: {  	_ =	shalt  }
0x73: {  	_ =	shalt  }
0x74: {  	_ =	shalt  }
0x75: {  	_ =	shalt  }
0x76: {  	_ =	shalt  }
0x77: {  	_ =	shalt  }
0x78: {  	_ =	shalt  }
0x79: {  	_ =	shalt  }
0x7a: {  	_ =	shalt  }
0x7b: {  	_ =	shalt  }
0x7c: {  	_ =	shalt  }
0x7d: {  	_ =	shalt  }
0x7e: {  	_ =	shalt  }
0x7f: {  	_ =	shalt  }
0x80: {  	_ =	shalt  }
0x81: {  	_ =	shalt  }
0x82: {  	_ =	shalt  }
0x83: {  	_ =	shalt  }
0x84: {  	_ =	shalt  }
0x85: {  	_ =	shalt  }
0x86: {  	_ =	shalt  }
0x87: {  	_ =	shalt  }
.Lfunc_end0:
.L_simem_size_0:
called_computation.2_lowered:
.L_overlay_start_0:
0x88: {  	s2 =	sld [smem:$0x3FD9]  }
0x89: {  	s3 =	sld [smem:$0x3FFE];
	_ =	sdelay $0x1  }
0x8a: {  	s1 =	srdreg.scid  }
0x8b: {  	s0 =	sand.u32 $0x1, s1  }
0x8c: {  	s17 =	sshll.u32 s0, $0xA;
	s2 =	sadd.s32 s3, s2  }
0x8d: {  	s2 =	sadd.s32 s2, s17  }
0x8e: {  	[smem:$0x3FBA] =	sst s2  }
0x8f: {  	_ = 	snop  }
0x90: {  	s2 =	sld [smem:$0x3FD0];
	(tm) =	ssettm $0x1  }
0x91: {  	s18 =	sld [smem:$0x3FFB];
	_ =	sdelay $0x3  }
0x92: {  	_ =	strace s18  }
0x93: {  	s3 =	sld [smem:$0x3FFC];
	_ =	sdelay $0x3  }
0x94: {  	_ =	strace s3  }
0x95: {  	s3 =	sld [smem:$0x3FFD];
	_ =	sdelay $0x3  }
0x96: {  	_ =	strace s3  }
0x97: {  	_ =	strace $0x8FFFFFFF  }
0x98: {  	s19 =	sld [smem:$0x3FDB];
	_ =	sdelay $0x1  }
0x99: {  	s4 =	simm.s32 $_scs_section_size  }
0x9a: {  	s5 =	simm.s32 $_size__tile_overlayer_lowered;
	s6 =	simm.s32 $_tile_overlayer_lowered  }
0x9b: {  	s22 =	simm.s32 $0x1BFF;
	s21 =	sshll.u32 s6, $0x1;
	s3 =	sadd.s32 s4, s19  }
0x9c: {  	s7 =	simm.s32 $0x0;
	s20 =	sshll.u32 s5, $0x1;
	s5 =	sadd.s32 s21, s3  }
0x9d: {  	[timem:s7], [sflag:s22] =	dma.local [hbm:s5], s20  }
0x9e: {  	_ =	swait.ge [sflag:s22], s20  }
0x9f: {  	s4 =	ssub.s32 $0x0, s20;
	[sflag:s22] =	ssyncset.done $0x0  }
0xa0: {  	[sflag:s22] =	ssyncadd.s32 s4;
	_ =	sdelay $0x1  }
0xa1: {  	s23 =	simm.s32 $0x1B8B  }
0xa2: {  	_ =	swait.ge [sflag:s23], $0x1  }
0xa3: {  	[sflag:s23] =	ssyncset.done $0x0  }
0xa4: {  	s25 =	simm.s32 $0x1B8E;
	s24 =	sld [smem:$0x3FFE];
	[sflag:s23] =	ssyncadd.s32 $0xFFFFFFFF  }
0xa5: {  	s26 =	simm.s32 $execute0_lowered;
	[smem:$0x3FD2] =	sst s25  }
0xa6: {  	s5 =	sshll.u32 s26, $0x1;
	_ =	strace $0x8000004C;
	[dreg:$0x1] =	wrdreg $0xFFFFFFFF  }
0xa7: {  	s28 =	simm.s32 $_size_execute0_lowered;
	s3 =	sadd.s32 s3, s5;
	[dreg:$0x0] =	wrdreg $0x0  }
0xa8: {  	s5 =	sshll.u32 s28, $0x1;
	[dreg:$0x2] =	wrdreg s3  }
0xa9: {  	[dreg:$0x3] =	wrdreg s5  }
0xaa: {  	[dreg:$0x4] =	wrdreg $0xC0  }
0xab: {  	_ =	task [dreg:s7], $0x5FFFF  }
0xac: {  	[dreg:$0x1] =	wrdreg $0xFFFFFFFF  }
0xad: {  	[dreg:$0x0] =	wrdreg $0x60  }
0xae: {  	[dreg:$0x2] =	wrdreg s24  }
0xaf: {  	[dreg:$0x3] =	wrdreg s2  }
0xb0: {  	[dreg:$0x4] =	wrdreg $0xB8000  }
0xb1: {  	[dreg:$0x5] =	wrdreg $0x9  }
0xb2: {  	_ =	task.clear_ibuf [dreg:s7], $0x6FFFF;
	_ =	strace $0x9000004C  }
0xb3: {  	s29 =	simm.s32 $0x9;
	_ =	strace $0x8000004E  }
0xb4: {  	_ =	swait.ge [sflag:s29], $0x1  }
0xb5: {  	[sflag:s29] =	ssyncadd.s32 $0xFFFFFFFF  }
0xb6: {  	_ =	strace $0x9000004E  }
0xb7: {  	_ =	sfence  }
0xb8: {  	s30 =	sld [smem:$0x0];
	_ =	sdelay $0x2  }
0xb9: {  	s31 =	sshll.u32 s1, $0xD;
	s1 =	sshrl.u32 s1, $0x2  }
0xba: {  	s3 =	sand.u32 $0x4000, s31;
	s1 =	sadd.s32 s1, s30  }
0xbb: {  	s0 =	sor.u32 s3, s0;
	s1 =	sshll.u32 s1, $0x11  }
0xbc: {  	s0 =	sor.u32 s1, s0  }
0xbd: {  	s0 =	sadd.s32 $0x8F2B, s0  }
0xbe: {  	[sflag:s0] =	ssyncadd.remote.s32 $0x1  }
0xbf: {  	_ =	sfence.sel $0xFFFF  }
0xc0: {  	[dreg:$0x0] =	wrdreg $0xFFFFFFFF;
	(pc) =	sbr.abs _section_cstart, $3  }
0xc1: {  	[dreg:$0x1] =	wrdreg $0xFFFFFFFF  }
0xc2: {  	_ =	task.clear_ibuf [dreg:s7], $0x2FFFF;
	_ =	strace $0x9FFFFFFF  }
0xc3: {  	(tm) =	ssettm $0x7FFFFFFF  }
tec
execute0_lowered:
.L_overlay_start_1:
0x0: {  	(tag) =	ssettag $0x1  }
0x1: {  	s6 =	rddreg [dreg:$0x0]  }
0x2: {  	s8 =	rddreg [dreg:$0x1];
	s0 =	srdreg.scid  }
0x3: {  	s2 =	rddreg [dreg:$0x2];
	s1 =	stileid.u32;
	s3 =	simm.s32 $0x0  }
0x4: {  	s17 =	simm.s32 $0x400;
	s18 =	simm.s32 $0x5000;
	s19 =	simm.s32 $0x7800  }
0x5: {  	s20 =	simm.s32 $0x1;
	s21 =	simm.s32 $0x0;
	s5 =	smul.u32 $0x2800, s1  }
0x6: {  	s7 =	sand.u32 $0x1, s0;
	s0 =	rddreg [dreg:$0x3];
	s12 =	smul.u32 $0x14000, s1  }
0x7: {  	[smem:$0x7FF] =	sst s3;
	s9 =	sshrl.u32 s1, $0x3;
	s24 =	smul.u32 $0x50000, s1  }
0x8: {  	s22 =	sshll.u32 s1, $0x7;
	s30 =	sshll.u32 s1, $0x6;
	s4 =	smul.u32 $0x28000, s7  }
0x9: {  	_ =	strace $0x8000004D;
	s9 =	smul.u32 $0x14000, s9;
	s26 =	ssub.s32 $0x2, s7  }
0xa: {  	s11 =	smul.u32 $0x140000, s7;
	s28 =	sshrl.u32 s24, $0x2;
	s29 =	sshrl.u32 s26, $0x1  }
0xb: {  	s5 =	sadd.s32 s5, s4;
	s9 =	sadd.s32 s4, s9;
	s4 =	sadd.s32 $0x25000, s6  }
0xc: {  	s23 =	sadd.s32 s12, s11;
	s15 =	sadd.s32 s28, s2;
	s31 =	ssub.s32 s26, s29  }
0xd: {  	s10 =	sshrl.u32 s5, $0x3;
	s5 =	sand.u32 $0x380, s22;
	s16 =	sadd.s32 $0xA000, s15  }
0xe: {  	s11 =	smax.u32 s31, $0x1;
	s12 =	sshrl.u32 s15, $0x3;
	s15 =	simm.s32 $0x2800  }
0xf: {  	s13 =	sadd.s32 s10, s6;
	s5 =	sor.u32 s5, s9;
	s9 =	sshrl.u32 s23, $0x3  }
0x10: {  	s8 =	sadd.s32 s8, s10;
	s5 =	sshrl.u32 s5, $0x3;
	s14 =	sadd.s32 s9, s6  }
0x11: {  	s7 =	sadd.s32 $0x1B000, s13;
	s13 =	simm.s32 $0x2;
	s25 =	sadd.s32 s5, s6  }
0x12: {  	s5 =	sadd.s32 $0x6400, s6;
	s6 =	sor.u32 $0x1C02, s30;
	s10 =	sadd.s32 $0x73400, s14  }
0x13: {  	s14 =	sshrl.u32 s16, $0x3;
	s16 =	simm.s32 $0x80;
	s9 =	sadd.s32 $0x11000, s25  }
.LBB2_1:
0x14: {  	[spmem:s12], [sflag:s6] =	dma.local [hbm:s5], $0x1400  }
0x15: {  	_ =	swait.ge [sflag:s13], $0x1400  }
0x16: {  	[sflag:s13] =	ssyncset.done $0x0  }
0x17: {  	[sflag:s13] =	ssyncadd.s32 $0xFFFFEC00  }
0x18: {  	[spmem:s14], [sflag:s6] =	dma.local [hbm:s5], $0x1400  }
0x19: {  	_ =	swait.ge [sflag:s13], $0x1400  }
0x1a: {  	[sflag:s13] =	ssyncset.done $0x0  }
0x1b: {  	[sflag:s13] =	ssyncadd.s32 $0xFFFFEC00  }
0x1c: {  	[tilespmem:s3], [sflag:$0x2] =	stream.linear.gather [hbm4b:s7+s3], $0x2800, $0x38;
	[tilespmem:$0x1F800] =	vst v63  }
0x1d: {  	_ =	swait.ge [sflag:s13], $0x2800  }
0x1e: {  	[sflag:s13] =	ssyncset.done $0x0  }
0x1f: {  	[sflag:s13] =	ssyncadd.s32 $0xFFFFD800  }
0x20: {  	[tilespmem:s15], [sflag:$0x2] =	stream.linear.gather [hbm4b:s8+s3], $0x2800, $0x38;
	[tilespmem:$0x1F800] =	vst v63  }
0x21: {  	_ =	swait.ge [sflag:s13], $0x2800  }
0x22: {  	[sflag:s13] =	ssyncset.done $0x0  }
0x23: {  	[sflag:s13] =	ssyncadd.s32 $0xFFFFD800  }
0x24: {  	[tilespmem:s18], [sflag:$0x2] =	stream.strided.gather [hbm4b:s9+s16], $0x2800, s17, s16, $0x38;
	[tilespmem:$0x1F800] =	vst v63  }
0x25: {  	_ =	swait.ge [sflag:s13], $0x2800  }
0x26: {  	[sflag:s13] =	ssyncset.done $0x0  }
0x27: {  	[sflag:s13] =	ssyncadd.s32 $0xFFFFD800  }
0x28: {  	s22 =	simm.s32 $0x0;
	s23 =	simm.s32 $0x0;
	[bflag:$0x0] =	sbarrier.arrive $0xFFFF  }
.LBB2_2:
0x29: {  	s24 =	sshll.u32 s23, $0x7  }
0x2a: {  	[tilespmem:s19], [sflag:$0x1] =	stream.indirect.gather [hbm4b:s4+s16], $0x80, s24, s16, $0xb8;
	[tilespmem:$0x1F800] =	vst v63  }
0x2b: {  	s25 =	sadd.s32 $0x0, s22;
	_ =	swait.ge [sflag:s20], $0x4000  }
0x2c: {  	v0 =	vmov s25;
	[sflag:s20] =	ssyncset.done $0x0  }
0x2d: {  	s25 =	simm.s32 $0x7840;
	[sflag:s20] =	ssyncadd.s32 $0xFFFFC000  }
0x2e: {  	v4 =	vld [tilespmem:s25+$0x30]  }
0x2f: {  	v7 =	vld [tilespmem:s25+$0x10]  }
0x30: {  	v5 =	vld [tilespmem:s25+$0xFFFFFFC0]  }
0x31: {  	v1 =	vld.idx.msk [tilespmem:v0+s18+$0x0], $0xffff  }
0x32: {  	v9 =	vld [tilespmem:s25+$0xFFFFFFE0]  }
0x33: {  	v2 =	vld [tilespmem:s25+$0x20]  }
0x34: {  	v3 =	vld [tilespmem:s25+$0xFFFFFFD0]  }
0x35: {  	v0 =	vld [tilespmem:s25+$0xFFFFFFF0]  }
0x36: {  	v8 =	vmul.f32 v4, v1;
	v4 =	vld [tilespmem:s25+$0x0]  }
0x37: {  	v6 =	vmul.f32 v5, v1  }
0x38: {  	s26 =	simm.s32 $0x1;
	s28 =	simm.s32 $0x7840;
	v5 =	vmul.f32 v9, v1;
	v7 =	vmul.f32 v7, v1  }
.LBB2_3:
0x39: {  	p0 =	sne.s32 s26, $0x7F  }
0x3a: {  	v3 =	vmul.f32 v3, v1;
	v2 =	vmul.f32 v2, v1;
	[tilespmem:s25+$0x30] =	vst v8;
	s28 =	sadd.s32 $0x80, s28;
	s29 =	smov.u32 s26;
	s26 =	sadd.s32 $0x1, s26  }
0x3b: {  	[tilespmem:s25+$0xFFFFFFC0] =	vst v6;
	v6 =	vmul.f32 v0, v1;
	v1 =	vmul.f32 v4, v1  }
0x3c: {  	s29 =	sadd.s32 s29, s22;
	[tilespmem:s25+$0x10] =	vst v7  }
0x3d: {  	v4 =	vmov s29;
	[tilespmem:s25+$0xFFFFFFE0] =	vst v5  }
0x3e: {  	v0 =	vld [tilespmem:s28+$0xFFFFFFF0];
	[tilespmem:s25+$0xFFFFFFF0] =	vst v6  }
0x3f: {  	v5 =	vld [tilespmem:s28+$0x30];
	[tilespmem:s25+$0x0] =	vst v1  }
0x40: {  	v7 =	vld [tilespmem:s28+$0x10];
	[tilespmem:s25+$0x20] =	vst v2  }
0x41: {  	v6 =	vld [tilespmem:s28+$0xFFFFFFC0];
	[tilespmem:s25+$0xFFFFFFD0] =	vst v3;
	s25 =	smov.u32 s28  }
0x42: {  	v1 =	vld.idx.msk [tilespmem:v4+s18+$0x0], $0xffff  }
0x43: {  	v9 =	vld [tilespmem:s28+$0xFFFFFFE0]  }
0x44: {  	v2 =	vld [tilespmem:s28+$0x20]  }
.Ltmp0:
0x45: {  	v3 =	vld [tilespmem:s28+$0xFFFFFFD0];
	(pc) =	sbr.rel @p0 .LBB2_3-.Ltmp0, $3  }
0x46: {  	v4 =	vld [tilespmem:s28+$0x0];
	_ =	sdelay $0x1  }
0x47: {  	v6 =	vmul.f32 v6, v1;
	v8 =	vmul.f32 v5, v1  }
0x48: {  	v7 =	vmul.f32 v7, v1;
	v5 =	vmul.f32 v9, v1  }
0x49: {  	[tilespmem:s25+$0x30] =	vst v8  }
0x4a: {  	[tilespmem:s25+$0xFFFFFFC0] =	vst v6  }
0x4b: {  	v0 =	vmul.f32 v0, v1;
	[tilespmem:s25+$0x10] =	vst v7  }
0x4c: {  	v2 =	vmul.f32 v2, v1;
	[tilespmem:s25+$0xFFFFFFE0] =	vst v5  }
0x4d: {  	v63 =	vmul.f32 v3, v1;
	[tilespmem:s25+$0xFFFFFFF0] =	vst v0  }
0x4e: {  	s23 =	sadd.s32 $0x1, s23;
	v4 =	vmul.f32 v4, v1;
	[tilespmem:s25+$0x20] =	vst v2  }
0x4f: {  	p0 =	sne.s32 s23, $0x50;
	[tilespmem:s25+$0xFFFFFFD0] =	vst v63  }
.Ltmp1:
0x50: {  	s24 =	sadd.s32 $0x2800, s24;
	[tilespmem:s25+$0x0] =	vst v4;
	(pc) =	sbr.rel @p0 .LBB2_2-.Ltmp1, $4  }
0x51: {  	[spmem:s2] =	stream.indirect.scatter.add.f32 [tilespmem:s19], [sflag:$0x2], $0x80, s24, s16, $0xb8;
	[tilespmem:$0x1F800] =	vst v63  }
0x52: {  	_ =	swait.ge [sflag:s13], $0x4000  }
0x53: {  	[sflag:s13] =	ssyncset.done $0x0  }
0x54: {  	s22 =	sadd.s32 $0x80, s22;
	[sflag:s13] =	ssyncadd.s32 $0xFFFFC000  }
0x55: {  	s21 =	sadd.s32 $0x1, s21  }
0x56: {  	p0 =	sne.s32 s21, s11  }
.Ltmp2:
0x57: {  	[bflag:$0x0] =	sbarrier.arrive $0xFFFF;
	(pc) =	sbr.rel @p0 .LBB2_1-.Ltmp2, $4  }
0x58: {  	[hbm:s10], [sflag:s6] =	dma.local [spmem:s12], $0x2800  }
0x59: {  	_ =	swait.ge [sflag:s13], $0x2800  }
0x5a: {  	[sflag:s13] =	ssyncset.done $0x0  }
0x5b: {  	[sflag:s13] =	ssyncadd.s32 $0xFFFFD800  }
0x5c: {  	_ =	sfence.sel $0x180000  }
0x5d: {  	[bflag:$0x0] =	sbarrier.arrive $0xFFFF  }
0x5e: {  	p0 =	sne.s32 s1, $0x0;
	_ =	strace $0x9000004D  }
0x5f: {  	s0 =	sadd.s32 @!p0 $0x100000, s0;
	[bflag:$0x2] =	sbarrier.arrive $0xFFFF  }
0x60: {  	[sflag:s0] =	ssyncadd.tile.s32 @!p0 $0x1;
	_ =	shalt  }
.Lfunc_end2:
_tile_overlayer_lowered:
.L_overlay_start_2:
0x61: {  	(tag) =	ssettag $0x2  }
0x62: {  	s0 =	rddreg [dreg:$0x0];
	s2 =	stileid.u32  }
0x63: {  	s1 =	rddreg [dreg:$0x1];
	p0 =	sne.s32 s2, $0x0  }
0x64: {  	s3 =	rddreg [dreg:$0x2];
	[bflag:$0x3] =	sbarrier.arrive $0xFFFF;
	s2 =	simm.s32 @!p0 $0x1C02  }
0x65: {  	[timem:s3], [sflag:s2] =	dma.local @!p0 [hbm:s0], s1  }
0x66: {  	s0 =	simm.s32 @!p0 $0x2  }
0x67: {  	_ =	swait.ge @!p0 [sflag:s0], s1  }
0x68: {  	s1 =	ssub.s32 @!p0 $0x0, s1;
	[sflag:s0] =	ssyncset.done @!p0 $0x0  }
0x69: {  	[sflag:s0] =	ssyncadd.s32 @!p0 s1  }
0x6a: {  	[bflag:$0x3] =	sbarrier.arrive $0xFFFF  }
0x6b: {  	_ =	shalt  }

// kernel: kernel.19.cloned.1.call-start
scs
__scs_entry_jumppad:
0x0: {  	(pc) =	sbr.rel $0x88, $3  }
0x1: {  	(tag) =	ssettag $0x0;
	lr =	simm.s32 $0x1  }
0x2: {  	[smem:$0x3F93] =	sst lr;
	_ =	strace $0xD0000000  }
0x3: {  	_ = 	snop  }
0x4: {  	_ = 	snop  }
0x5: {  	_ = 	snop  }
0x6: {  	_ = 	snop  }
0x7: {  	_ = 	snop  }
__scs_overlays_trampoline_lowered:
0x8: {  	[smem:$0x3FA2] =	sst s0  }
0x9: {  	[smem:$0x3FA3] =	sst s1  }
0xa: {  	[smem:$0x3FA4] =	sst s2  }
0xb: {  	[smem:$0x3FA5] =	sst s3  }
0xc: {  	[smem:$0x3FA6] =	sst s4  }
0xd: {  	[smem:$0x3FA7] =	sst s5  }
0xe: {  	[smem:$0x3FA8] =	sst s6  }
0xf: {  	[smem:$0x3FA9] =	sst s7  }
0x10: {  	[smem:$0x3FAA] =	sst s8  }
0x11: {  	[smem:$0x3FAB] =	sst s9;
	s0 =	simm.s32 @!p0 $0x0  }
0x12: {  	s1 =	sld [smem:$0x3F91];
	s0 =	simm.s32 @p0 $0x1  }
0x13: {  	[smem:$0x3FAC] =	sst s0;
	s0 =	simm.s32 @!p1 $0x0  }
0x14: {  	s2 =	sld [smem:$0x3F90];
	s0 =	simm.s32 @p1 $0x1  }
0x15: {  	[smem:$0x3FAD] =	sst s0;
	s0 =	simm.s32 @!p2 $0x0  }
0x16: {  	s3 =	sld [smem:$0x3FDB];
	s0 =	simm.s32 @p2 $0x1  }
0x17: {  	s4 =	simm.s32 $0x1BF5;
	[smem:$0x3FAF] =	sst s0  }
0x18: {  	s0 =	sld [smem:$0x3F92];
	_ =	swait.ge [sflag:s4], $0x0  }
0x19: {  	s7 =	sld [smem:$0x3F93]  }
0x1a: {  	s8 =	sadd.s32 $0xFFFFE003, lr  }
0x1b: {  	s9 =	sadd.s32 $0xFFFFFEF7, lr;
	s5 =	simm.s32 $0xFFFFFFFF;
	p2 =	slt.u32 s8, $0xFFFFF086  }
0x1c: {  	p1 =	slt.u32 s9, $0xF7A;
	s5 =	simm.s32 @!p2 $0x0  }
0x1d: {  	s5 =	simm.s32 @p1 $0x1;
	p0 =	seq.s32 s7, s2  }
0x1e: {  	s7 =	smul.u32 @!p0 $0xF7A, s2;
	p2 =	seq.s32 @!p0 s5, $0x0  }
0x1f: {  	s9 =	smul.u32 $0xF7A, s1;
	s8 =	simm.s32 @!p0 $0x1BF5;
	p2 =	por !p2, p0  }
0x20: {  	[sflag:s8] =	ssyncset.s32 @!p0 $0xFFFFF086;
	s6 =	sadd.s32 @!p0 s3, s7;
	s7 =	simm.s32 @!p0 $0x108  }
0x21: {  	s3 =	sadd.s32 s3, s9;
	s6 =	sadd.s32 @!p0 $0x88, s6;
	s7 =	simm.s32 @p2 $0x1082  }
0x22: {  	[simem:s7], [sflag:s8] =	dma.local @!p0 [hbm:s6], $0xF7A  }
0x23: {  	s9 =	sor.u32 $0xD0000000, s2;
	s6 =	simm.s32 $0x108;
	_ =	swait.ge @!p0 [sflag:s8], $0x0  }
0x24: {  	s3 =	sadd.s32 $0x88, s3;
	s6 =	simm.s32 @!p1 $0x1082;
	[sflag:s4] =	ssyncset.s32 $0xFFFFF086  }
0x25: {  	[simem:s6], [sflag:s4] =	dma.local [hbm:s3], $0xF7A  }
0x26: {  	[smem:$0x3F93] =	sst s1;
	(tag) =	ssettag s2;
	_ =	strace s9  }
0x27: {  	s1 =	sld [smem:$0x3FA3]  }
0x28: {  	s2 =	sld [smem:$0x3FA4]  }
0x29: {  	s4 =	sld [smem:$0x3FA6]  }
0x2a: {  	p0 =	seq.s32 s5, $0x0;
	s5 =	sld [smem:$0x3FA7]  }
0x2b: {  	s6 =	sld [smem:$0x3FA8]  }
0x2c: {  	s7 =	sld [smem:$0x3FA9]  }
0x2d: {  	s3 =	simm.s32 $0x108;
	s8 =	sld [smem:$0x3FAA]  }
0x2e: {  	s3 =	simm.s32 @!p0 $0x1082;
	s9 =	sld [smem:$0x3FAB]  }
0x2f: {  	lr =	sadd.s32 s0, s3;
	s0 =	sld [smem:$0x3FA2]  }
0x30: {  	s3 =	sld [smem:$0x3FA5]  }
0x31: {  	[smem:$0x3FAE] =	sst s10  }
0x32: {  	s10 =	sld [smem:$0x3FAC];
	_ =	sdelay $0x3  }
0x33: {  	p0 =	seq.s32 s10, $0x1;
	s10 =	sld [smem:$0x3FAE];
	_ =	sdelay $0x3  }
0x34: {  	[smem:$0x3FAE] =	sst s10  }
0x35: {  	s10 =	sld [smem:$0x3FAD];
	_ =	sdelay $0x3  }
0x36: {  	p1 =	seq.s32 s10, $0x1;
	s10 =	sld [smem:$0x3FAE];
	_ =	sdelay $0x3  }
0x37: {  	[smem:$0x3FAE] =	sst s10  }
0x38: {  	s10 =	sld [smem:$0x3FAF]  }
0x39: {  	_ = 	snop;
	(pc) =	sbr.ind lr, $3  }
0x3a: {  	_ = 	snop  }
0x3b: {  	_ = 	snop  }
0x3c: {  	p2 =	seq.s32 s10, $0x1;
	s10 =	sld [smem:$0x3FAE]  }
0x3d: {  	_ =	shalt  }
0x3e: {  	_ =	shalt  }
0x3f: {  	_ =	shalt  }
0x40: {  	_ =	shalt  }
0x41: {  	_ =	shalt  }
0x42: {  	_ =	shalt  }
0x43: {  	_ =	shalt  }
0x44: {  	_ =	shalt  }
0x45: {  	_ =	shalt  }
0x46: {  	_ =	shalt  }
0x47: {  	_ =	shalt  }
0x48: {  	_ =	shalt  }
0x49: {  	_ =	shalt  }
0x4a: {  	_ =	shalt  }
0x4b: {  	_ =	shalt  }
0x4c: {  	_ =	shalt  }
0x4d: {  	_ =	shalt  }
0x4e: {  	_ =	shalt  }
0x4f: {  	_ =	shalt  }
0x50: {  	_ =	shalt  }
0x51: {  	_ =	shalt  }
0x52: {  	_ =	shalt  }
0x53: {  	_ =	shalt  }
0x54: {  	_ =	shalt  }
0x55: {  	_ =	shalt  }
0x56: {  	_ =	shalt  }
0x57: {  	_ =	shalt  }
0x58: {  	_ =	shalt  }
0x59: {  	_ =	shalt  }
0x5a: {  	_ =	shalt  }
0x5b: {  	_ =	shalt  }
0x5c: {  	_ =	shalt  }
0x5d: {  	_ =	shalt  }
0x5e: {  	_ =	shalt  }
0x5f: {  	_ =	shalt  }
0x60: {  	_ =	shalt  }
0x61: {  	_ =	shalt  }
0x62: {  	_ =	shalt  }
0x63: {  	_ =	shalt  }
0x64: {  	_ =	shalt  }
0x65: {  	_ =	shalt  }
0x66: {  	_ =	shalt  }
0x67: {  	_ =	shalt  }
0x68: {  	_ =	shalt  }
0x69: {  	_ =	shalt  }
0x6a: {  	_ =	shalt  }
0x6b: {  	_ =	shalt  }
0x6c: {  	_ =	shalt  }
0x6d: {  	_ =	shalt  }
0x6e: {  	_ =	shalt  }
0x6f: {  	_ =	shalt  }
0x70: {  	_ =	shalt  }
0x71: {  	_ =	shalt  }
0x72: {  	_ =	shalt  }
0x73: {  	_ =	shalt  }
0x74: {  	_ =	shalt  }
0x75: {  	_ =	shalt  }
0x76: {  	_ =	shalt  }
0x77: {  	_ =	shalt  }
0x78: {  	_ =	shalt  }
0x79: {  	_ =	shalt  }
0x7a: {  	_ =	shalt  }
0x7b: {  	_ =	shalt  }
0x7c: {  	_ =	shalt  }
0x7d: {  	_ =	shalt  }
0x7e: {  	_ =	shalt  }
0x7f: {  	_ =	shalt  }
0x80: {  	_ =	shalt  }
0x81: {  	_ =	shalt  }
0x82: {  	_ =	shalt  }
0x83: {  	_ =	shalt  }
0x84: {  	_ =	shalt  }
0x85: {  	_ =	shalt  }
0x86: {  	_ =	shalt  }
0x87: {  	_ =	shalt  }
.Lfunc_end0:
.L_simem_size_0:
called_computation.3_lowered:
.L_overlay_start_0:
0x88: {  	s2 =	sld [smem:$0x3FD9]  }
0x89: {  	s3 =	sld [smem:$0x3FFE];
	_ =	sdelay $0x1  }
0x8a: {  	s1 =	srdreg.scid  }
0x8b: {  	s0 =	sand.u32 $0x1, s1  }
0x8c: {  	s17 =	sshll.u32 s0, $0xA;
	s2 =	sadd.s32 s3, s2  }
0x8d: {  	s2 =	sadd.s32 s2, s17  }
0x8e: {  	[smem:$0x3FBA] =	sst s2  }
0x8f: {  	_ = 	snop  }
0x90: {  	s2 =	sld [smem:$0x3FD0];
	(tm) =	ssettm $0x1  }
0x91: {  	s18 =	sld [smem:$0x3FFB];
	_ =	sdelay $0x3  }
0x92: {  	_ =	strace s18  }
0x93: {  	s3 =	sld [smem:$0x3FFC];
	_ =	sdelay $0x3  }
0x94: {  	_ =	strace s3  }
0x95: {  	s3 =	sld [smem:$0x3FFD];
	_ =	sdelay $0x3  }
0x96: {  	_ =	strace s3  }
0x97: {  	_ =	strace $0x8FFFFFFF  }
0x98: {  	s19 =	sld [smem:$0x3FDB];
	_ =	sdelay $0x1  }
0x99: {  	s4 =	simm.s32 $_scs_section_size  }
0x9a: {  	s5 =	simm.s32 $_size__tile_overlayer_lowered;
	s6 =	simm.s32 $_tile_overlayer_lowered  }
0x9b: {  	s22 =	simm.s32 $0x1BFF;
	s21 =	sshll.u32 s6, $0x1;
	s3 =	sadd.s32 s4, s19  }
0x9c: {  	s7 =	simm.s32 $0x0;
	s20 =	sshll.u32 s5, $0x1;
	s5 =	sadd.s32 s21, s3  }
0x9d: {  	[timem:s7], [sflag:s22] =	dma.local [hbm:s5], s20  }
0x9e: {  	_ =	swait.ge [sflag:s22], s20  }
0x9f: {  	s4 =	ssub.s32 $0x0, s20;
	[sflag:s22] =	ssyncset.done $0x0  }
0xa0: {  	[sflag:s22] =	ssyncadd.s32 s4;
	_ =	sdelay $0x1  }
0xa1: {  	s23 =	simm.s32 $0x1B8B  }
0xa2: {  	_ =	swait.ge [sflag:s23], $0x1  }
0xa3: {  	[sflag:s23] =	ssyncset.done $0x0  }
0xa4: {  	s25 =	simm.s32 $0x1B8E;
	s24 =	sld [smem:$0x3FFE];
	[sflag:s23] =	ssyncadd.s32 $0xFFFFFFFF  }
0xa5: {  	s26 =	simm.s32 $execute0_lowered;
	[smem:$0x3FD2] =	sst s25  }
0xa6: {  	s5 =	sshll.u32 s26, $0x1;
	_ =	strace $0x8000004F;
	[dreg:$0x1] =	wrdreg $0xFFFFFFFF  }
0xa7: {  	s28 =	simm.s32 $_size_execute0_lowered;
	s3 =	sadd.s32 s3, s5;
	[dreg:$0x0] =	wrdreg $0x0  }
0xa8: {  	s5 =	sshll.u32 s28, $0x1;
	[dreg:$0x2] =	wrdreg s3  }
0xa9: {  	[dreg:$0x3] =	wrdreg s5  }
0xaa: {  	[dreg:$0x4] =	wrdreg $0xC0  }
0xab: {  	_ =	task [dreg:s7], $0x5FFFF  }
0xac: {  	[dreg:$0x1] =	wrdreg $0xFFFFFFFF  }
0xad: {  	[dreg:$0x0] =	wrdreg $0x60  }
0xae: {  	[dreg:$0x2] =	wrdreg s24  }
0xaf: {  	[dreg:$0x3] =	wrdreg s2  }
0xb0: {  	[dreg:$0x4] =	wrdreg $0xB8000  }
0xb1: {  	[dreg:$0x5] =	wrdreg $0x9  }
0xb2: {  	_ =	task.clear_ibuf [dreg:s7], $0x6FFFF;
	_ =	strace $0x9000004F  }
0xb3: {  	s29 =	simm.s32 $0x9;
	_ =	strace $0x80000051  }
0xb4: {  	_ =	swait.ge [sflag:s29], $0x1  }
0xb5: {  	[sflag:s29] =	ssyncadd.s32 $0xFFFFFFFF  }
0xb6: {  	_ =	strace $0x90000051  }
0xb7: {  	_ =	sfence  }
0xb8: {  	s30 =	sld [smem:$0x0];
	_ =	sdelay $0x2  }
0xb9: {  	s31 =	sshll.u32 s1, $0xD;
	s1 =	sshrl.u32 s1, $0x2  }
0xba: {  	s3 =	sand.u32 $0x4000, s31;
	s1 =	sadd.s32 s1, s30  }
0xbb: {  	s0 =	sor.u32 s3, s0;
	s1 =	sshll.u32 s1, $0x11  }
0xbc: {  	s0 =	sor.u32 s1, s0  }
0xbd: {  	s0 =	sadd.s32 $0x8F2B, s0  }
0xbe: {  	[sflag:s0] =	ssyncadd.remote.s32 $0x1  }
0xbf: {  	_ =	sfence.sel $0xFFFF  }
0xc0: {  	[dreg:$0x0] =	wrdreg $0xFFFFFFFF;
	(pc) =	sbr.abs _section_cstart, $3  }
0xc1: {  	[dreg:$0x1] =	wrdreg $0xFFFFFFFF  }
0xc2: {  	_ =	task.clear_ibuf [dreg:s7], $0x2FFFF;
	_ =	strace $0x9FFFFFFF  }
0xc3: {  	(tm) =	ssettm $0x7FFFFFFF  }
tec
execute0_lowered:
.L_overlay_start_1:
0x0: {  	(tag) =	ssettag $0x1  }
0x1: {  	s6 =	rddreg [dreg:$0x0]  }
0x2: {  	s8 =	rddreg [dreg:$0x1];
	s0 =	srdreg.scid  }
0x3: {  	s2 =	rddreg [dreg:$0x2];
	s1 =	stileid.u32;
	s3 =	simm.s32 $0x0  }
0x4: {  	s17 =	simm.s32 $0x400;
	s18 =	simm.s32 $0x5000;
	s19 =	simm.s32 $0x7800  }
0x5: {  	s20 =	simm.s32 $0x1;
	s21 =	simm.s32 $0x0;
	s5 =	smul.u32 $0x2800, s1  }
0x6: {  	s7 =	sand.u32 $0x1, s0;
	s0 =	rddreg [dreg:$0x3];
	s12 =	smul.u32 $0x14000, s1  }
0x7: {  	[smem:$0x7FF] =	sst s3;
	s9 =	sshrl.u32 s1, $0x3;
	s24 =	smul.u32 $0x50000, s1  }
0x8: {  	s22 =	sshll.u32 s1, $0x7;
	s30 =	sshll.u32 s1, $0x6;
	s4 =	smul.u32 $0x28000, s7  }
0x9: {  	_ =	strace $0x80000050;
	s9 =	smul.u32 $0x14000, s9;
	s26 =	ssub.s32 $0x2, s7  }
0xa: {  	s11 =	smul.u32 $0x140000, s7;
	s28 =	sshrl.u32 s24, $0x2;
	s29 =	sshrl.u32 s26, $0x1  }
0xb: {  	s5 =	sadd.s32 s5, s4;
	s9 =	sadd.s32 s4, s9;
	s4 =	sadd.s32 $0x25000, s6  }
0xc: {  	s23 =	sadd.s32 s12, s11;
	s15 =	sadd.s32 s28, s2;
	s31 =	ssub.s32 s26, s29  }
0xd: {  	s10 =	sshrl.u32 s5, $0x3;
	s5 =	sand.u32 $0x380, s22;
	s16 =	sadd.s32 $0xA000, s15  }
0xe: {  	s11 =	smax.u32 s31, $0x1;
	s12 =	sshrl.u32 s15, $0x3;
	s15 =	simm.s32 $0x2800  }
0xf: {  	s13 =	sadd.s32 s10, s6;
	s5 =	sor.u32 s5, s9;
	s9 =	sshrl.u32 s23, $0x3  }
0x10: {  	s8 =	sadd.s32 s8, s10;
	s5 =	sshrl.u32 s5, $0x3;
	s14 =	sadd.s32 s9, s6  }
0x11: {  	s7 =	sadd.s32 $0x1B000, s13;
	s13 =	simm.s32 $0x2;
	s25 =	sadd.s32 s5, s6  }
0x12: {  	s5 =	sadd.s32 $0x6400, s6;
	s6 =	sor.u32 $0x1C02, s30;
	s10 =	sadd.s32 $0x4C200, s14  }
0x13: {  	s14 =	sshrl.u32 s16, $0x3;
	s16 =	simm.s32 $0x80;
	s9 =	sadd.s32 $0x11000, s25  }
.LBB2_1:
0x14: {  	[spmem:s12], [sflag:s6] =	dma.local [hbm:s5], $0x1400  }
0x15: {  	_ =	swait.ge [sflag:s13], $0x1400  }
0x16: {  	[sflag:s13] =	ssyncset.done $0x0  }
0x17: {  	[sflag:s13] =	ssyncadd.s32 $0xFFFFEC00  }
0x18: {  	[spmem:s14], [sflag:s6] =	dma.local [hbm:s5], $0x1400  }
0x19: {  	_ =	swait.ge [sflag:s13], $0x1400  }
0x1a: {  	[sflag:s13] =	ssyncset.done $0x0  }
0x1b: {  	[sflag:s13] =	ssyncadd.s32 $0xFFFFEC00  }
0x1c: {  	[tilespmem:s3], [sflag:$0x2] =	stream.linear.gather [hbm4b:s7+s3], $0x2800, $0x38;
	[tilespmem:$0x1F800] =	vst v63  }
0x1d: {  	_ =	swait.ge [sflag:s13], $0x2800  }
0x1e: {  	[sflag:s13] =	ssyncset.done $0x0  }
0x1f: {  	[sflag:s13] =	ssyncadd.s32 $0xFFFFD800  }
0x20: {  	[tilespmem:s15], [sflag:$0x2] =	stream.linear.gather [hbm4b:s8+s3], $0x2800, $0x38;
	[tilespmem:$0x1F800] =	vst v63  }
0x21: {  	_ =	swait.ge [sflag:s13], $0x2800  }
0x22: {  	[sflag:s13] =	ssyncset.done $0x0  }
0x23: {  	[sflag:s13] =	ssyncadd.s32 $0xFFFFD800  }
0x24: {  	[tilespmem:s18], [sflag:$0x2] =	stream.strided.gather [hbm4b:s9+s16], $0x2800, s17, s16, $0x38;
	[tilespmem:$0x1F800] =	vst v63  }
0x25: {  	_ =	swait.ge [sflag:s13], $0x2800  }
0x26: {  	[sflag:s13] =	ssyncset.done $0x0  }
0x27: {  	[sflag:s13] =	ssyncadd.s32 $0xFFFFD800  }
0x28: {  	s22 =	simm.s32 $0x0;
	s23 =	simm.s32 $0x0;
	[bflag:$0x0] =	sbarrier.arrive $0xFFFF  }
.LBB2_2:
0x29: {  	s24 =	sshll.u32 s23, $0x7  }
0x2a: {  	[tilespmem:s19], [sflag:$0x1] =	stream.indirect.gather [hbm4b:s4+s16], $0x80, s24, s16, $0xb8;
	[tilespmem:$0x1F800] =	vst v63  }
0x2b: {  	s25 =	sadd.s32 $0x0, s22;
	_ =	swait.ge [sflag:s20], $0x4000  }
0x2c: {  	v0 =	vmov s25;
	[sflag:s20] =	ssyncset.done $0x0  }
0x2d: {  	s25 =	simm.s32 $0x7840;
	[sflag:s20] =	ssyncadd.s32 $0xFFFFC000  }
0x2e: {  	v4 =	vld [tilespmem:s25+$0x30]  }
0x2f: {  	v7 =	vld [tilespmem:s25+$0x10]  }
0x30: {  	v5 =	vld [tilespmem:s25+$0xFFFFFFC0]  }
0x31: {  	v1 =	vld.idx.msk [tilespmem:v0+s18+$0x0], $0xffff  }
0x32: {  	v9 =	vld [tilespmem:s25+$0xFFFFFFE0]  }
0x33: {  	v2 =	vld [tilespmem:s25+$0x20]  }
0x34: {  	v3 =	vld [tilespmem:s25+$0xFFFFFFD0]  }
0x35: {  	v0 =	vld [tilespmem:s25+$0xFFFFFFF0]  }
0x36: {  	v8 =	vmul.f32 v4, v1;
	v4 =	vld [tilespmem:s25+$0x0]  }
0x37: {  	v6 =	vmul.f32 v5, v1  }
0x38: {  	s26 =	simm.s32 $0x1;
	s28 =	simm.s32 $0x7840;
	v5 =	vmul.f32 v9, v1;
	v7 =	vmul.f32 v7, v1  }
.LBB2_3:
0x39: {  	p0 =	sne.s32 s26, $0x7F  }
0x3a: {  	v3 =	vmul.f32 v3, v1;
	v2 =	vmul.f32 v2, v1;
	[tilespmem:s25+$0x30] =	vst v8;
	s28 =	sadd.s32 $0x80, s28;
	s29 =	smov.u32 s26;
	s26 =	sadd.s32 $0x1, s26  }
0x3b: {  	[tilespmem:s25+$0xFFFFFFC0] =	vst v6;
	v6 =	vmul.f32 v0, v1;
	v1 =	vmul.f32 v4, v1  }
0x3c: {  	s29 =	sadd.s32 s29, s22;
	[tilespmem:s25+$0x10] =	vst v7  }
0x3d: {  	v4 =	vmov s29;
	[tilespmem:s25+$0xFFFFFFE0] =	vst v5  }
0x3e: {  	v0 =	vld [tilespmem:s28+$0xFFFFFFF0];
	[tilespmem:s25+$0xFFFFFFF0] =	vst v6  }
0x3f: {  	v5 =	vld [tilespmem:s28+$0x30];
	[tilespmem:s25+$0x0] =	vst v1  }
0x40: {  	v7 =	vld [tilespmem:s28+$0x10];
	[tilespmem:s25+$0x20] =	vst v2  }
0x41: {  	v6 =	vld [tilespmem:s28+$0xFFFFFFC0];
	[tilespmem:s25+$0xFFFFFFD0] =	vst v3;
	s25 =	smov.u32 s28  }
0x42: {  	v1 =	vld.idx.msk [tilespmem:v4+s18+$0x0], $0xffff  }
0x43: {  	v9 =	vld [tilespmem:s28+$0xFFFFFFE0]  }
0x44: {  	v2 =	vld [tilespmem:s28+$0x20]  }
.Ltmp0:
0x45: {  	v3 =	vld [tilespmem:s28+$0xFFFFFFD0];
	(pc) =	sbr.rel @p0 .LBB2_3-.Ltmp0, $3  }
0x46: {  	v4 =	vld [tilespmem:s28+$0x0];
	_ =	sdelay $0x1  }
0x47: {  	v6 =	vmul.f32 v6, v1;
	v8 =	vmul.f32 v5, v1  }
0x48: {  	v7 =	vmul.f32 v7, v1;
	v5 =	vmul.f32 v9, v1  }
0x49: {  	[tilespmem:s25+$0x30] =	vst v8  }
0x4a: {  	[tilespmem:s25+$0xFFFFFFC0] =	vst v6  }
0x4b: {  	v0 =	vmul.f32 v0, v1;
	[tilespmem:s25+$0x10] =	vst v7  }
0x4c: {  	v2 =	vmul.f32 v2, v1;
	[tilespmem:s25+$0xFFFFFFE0] =	vst v5  }
0x4d: {  	v63 =	vmul.f32 v3, v1;
	[tilespmem:s25+$0xFFFFFFF0] =	vst v0  }
0x4e: {  	s23 =	sadd.s32 $0x1, s23;
	v4 =	vmul.f32 v4, v1;
	[tilespmem:s25+$0x20] =	vst v2  }
0x4f: {  	p0 =	sne.s32 s23, $0x50;
	[tilespmem:s25+$0xFFFFFFD0] =	vst v63  }
.Ltmp1:
0x50: {  	s24 =	sadd.s32 $0x2800, s24;
	[tilespmem:s25+$0x0] =	vst v4;
	(pc) =	sbr.rel @p0 .LBB2_2-.Ltmp1, $4  }
0x51: {  	[spmem:s2] =	stream.indirect.scatter.add.f32 [tilespmem:s19], [sflag:$0x2], $0x80, s24, s16, $0xb8;
	[tilespmem:$0x1F800] =	vst v63  }
0x52: {  	_ =	swait.ge [sflag:s13], $0x4000  }
0x53: {  	[sflag:s13] =	ssyncset.done $0x0  }
0x54: {  	s22 =	sadd.s32 $0x80, s22;
	[sflag:s13] =	ssyncadd.s32 $0xFFFFC000  }
0x55: {  	s21 =	sadd.s32 $0x1, s21  }
0x56: {  	p0 =	sne.s32 s21, s11  }
.Ltmp2:
0x57: {  	[bflag:$0x0] =	sbarrier.arrive $0xFFFF;
	(pc) =	sbr.rel @p0 .LBB2_1-.Ltmp2, $4  }
0x58: {  	[hbm:s10], [sflag:s6] =	dma.local [spmem:s12], $0x2800  }
0x59: {  	_ =	swait.ge [sflag:s13], $0x2800  }
0x5a: {  	[sflag:s13] =	ssyncset.done $0x0  }
0x5b: {  	[sflag:s13] =	ssyncadd.s32 $0xFFFFD800  }
0x5c: {  	_ =	sfence.sel $0x180000  }
0x5d: {  	[bflag:$0x0] =	sbarrier.arrive $0xFFFF  }
0x5e: {  	p0 =	sne.s32 s1, $0x0;
	_ =	strace $0x90000050  }
0x5f: {  	s0 =	sadd.s32 @!p0 $0x100000, s0;
	[bflag:$0x2] =	sbarrier.arrive $0xFFFF  }
0x60: {  	[sflag:s0] =	ssyncadd.tile.s32 @!p0 $0x1;
	_ =	shalt  }
.Lfunc_end2:
_tile_overlayer_lowered:
.L_overlay_start_2:
0x61: {  	(tag) =	ssettag $0x2  }
0x62: {  	s0 =	rddreg [dreg:$0x0];
	s2 =	stileid.u32  }
0x63: {  	s1 =	rddreg [dreg:$0x1];
	p0 =	sne.s32 s2, $0x0  }
0x64: {  	s3 =	rddreg [dreg:$0x2];
	[bflag:$0x3] =	sbarrier.arrive $0xFFFF;
	s2 =	simm.s32 @!p0 $0x1C02  }
0x65: {  	[timem:s3], [sflag:s2] =	dma.local @!p0 [hbm:s0], s1  }
0x66: {  	s0 =	simm.s32 @!p0 $0x2  }
0x67: {  	_ =	swait.ge @!p0 [sflag:s0], s1  }
0x68: {  	s1 =	ssub.s32 @!p0 $0x0, s1;
	[sflag:s0] =	ssyncset.done @!p0 $0x0  }
0x69: {  	[sflag:s0] =	ssyncadd.s32 @!p0 s1  }
0x6a: {  	[bflag:$0x3] =	sbarrier.arrive $0xFFFF  }
0x6b: {  	_ =	shalt  }

</sc_bundles>
